<compile_context>
chip_gen: v7x
topology: tpu7x:2x2x1
jax: 0.10.2.dev20260603
libtpu: 0.0.44.dev20260713+nightly
codegen_flags: <defaults>
</compile_context>

<pallas_src>
import functools

import jax
import jax.numpy as jnp
from jax import lax
from jax.experimental import pallas as pl
from jax.experimental.pallas import tpu as pltpu
from jax.experimental.pallas import tpu_sc as plsc

N = 10000
E = 320000
D = 128

NC = 2
NS = 16
NW = NC * NS
EW = E // NW
GB = 80
NG = EW // GB

F32 = jnp.float32


def _ln_rows(x, g, b):
    m = jnp.mean(x, axis=-1, keepdims=True)
    v = jnp.mean((x - m) ** 2, axis=-1, keepdims=True)
    return (x - m) / jnp.sqrt(v + 1e-5) * g + b


def _proj_body(node_ref, w1_ref, ps_ref, pd_ref):
    x = node_ref[...]
    ps_ref[...] = jnp.dot(x, w1_ref[0:D, :], preferred_element_type=F32)
    pd_ref[...] = jnp.dot(x, w1_ref[D:2 * D, :], preferred_element_type=F32)


def _project(node, eW1):
    blk = 2000
    return pl.pallas_call(
        _proj_body,
        grid=(N // blk,),
        in_specs=[
            pl.BlockSpec((blk, D), lambda i: (i, 0)),
            pl.BlockSpec((3 * D, D), lambda i: (0, 0)),
        ],
        out_specs=[
            pl.BlockSpec((blk, D), lambda i: (i, 0)),
            pl.BlockSpec((blk, D), lambda i: (i, 0)),
        ],
        out_shape=[
            jax.ShapeDtypeStruct((N, D), F32),
            jax.ShapeDtypeStruct((N, D), F32),
        ],
    )(node, eW1)


def _gather_body(ps_hbm, pd_hbm, snd_hbm, rcv_hbm, g_hbm,
                 idx_s, idx_r, rows_a, rows_b, sem_a, sem_b):
    wid = lax.axis_index("s") * NC + lax.axis_index("c")
    ebase = wid * EW
    pltpu.sync_copy(snd_hbm.at[wid], idx_s)
    pltpu.sync_copy(rcv_hbm.at[wid], idx_r)

    def issue(g, buf):
        cp_a = pltpu.async_copy(ps_hbm.at[idx_s.at[g]], rows_a.at[buf], sem_a.at[buf])
        cp_b = pltpu.async_copy(pd_hbm.at[idx_r.at[g]], rows_b.at[buf], sem_b.at[buf])
        return cp_a, cp_b

    def drain(g, buf):
        cp_a, cp_b = (
            pltpu.make_async_copy(ps_hbm.at[idx_s.at[g]], rows_a.at[buf], sem_a.at[buf]),
            pltpu.make_async_copy(pd_hbm.at[idx_r.at[g]], rows_b.at[buf], sem_b.at[buf]),
        )
        cp_a.wait()
        cp_b.wait()

    def addstore(g, buf):
        def addrow(i, c):
            for k in range(D // 16):
                sl = pl.ds(k * 16, 16)
                rows_a[buf, i, sl] = rows_a[buf, i, sl] + rows_b[buf, i, sl]
            return c

        lax.fori_loop(0, GB, addrow, 0)
        pltpu.sync_copy(rows_a.at[buf], g_hbm.at[pl.ds(ebase + g * GB, GB)])

    issue(0, 0)

    def pair(t, carry):
        g0 = 2 * t
        drain(g0, 0)
        issue(g0 + 1, 1)
        addstore(g0, 0)
        drain(g0 + 1, 1)
        issue(g0 + 2, 0)
        addstore(g0 + 1, 1)
        return carry

    lax.fori_loop(0, (NG - 1) // 2, pair, 0)
    drain(NG - 1, 0)
    addstore(NG - 1, 0)


def _gather(ps, pd, snd2d, rcv2d):
    mesh = plsc.VectorSubcoreMesh(core_axis_name="c", subcore_axis_name="s")
    f = functools.partial(
        pl.kernel,
        out_type=jax.ShapeDtypeStruct((E, D), F32),
        mesh=mesh,
        scratch_types=[
            pltpu.VMEM((NG, GB), jnp.int32),
            pltpu.VMEM((NG, GB), jnp.int32),
            pltpu.VMEM((2, GB, D), F32),
            pltpu.VMEM((2, GB, D), F32),
            pltpu.SemaphoreType.DMA((2,)),
            pltpu.SemaphoreType.DMA((2,)),
        ],
    )(_gather_body)
    return f(ps, pd, snd2d, rcv2d)


def _edge_body(e_ref, g_ref, w1_ref, b1_ref, w2_ref, b2_ref, gm_ref, bt_ref,
               h_ref, out_ref):
    x = e_ref[...]
    h1 = jnp.dot(x, w1_ref[2 * D:3 * D, :], preferred_element_type=F32)
    h1 = jnp.maximum(h1 + g_ref[...] + b1_ref[...], 0.0)
    h2 = jnp.dot(h1, w2_ref[...], preferred_element_type=F32) + b2_ref[...]
    h = _ln_rows(h2, gm_ref[...], bt_ref[...])
    h_ref[...] = h
    out_ref[...] = h + x


def _edge_mlp(edge, g, eW1, eb1, eW2, eb2, eg, ebeta):
    blk = 2000
    vec = lambda i: (0, 0)
    return pl.pallas_call(
        _edge_body,
        grid=(E // blk,),
        in_specs=[
            pl.BlockSpec((blk, D), lambda i: (i, 0)),
            pl.BlockSpec((blk, D), lambda i: (i, 0)),
            pl.BlockSpec((3 * D, D), vec),
            pl.BlockSpec((1, D), vec),
            pl.BlockSpec((D, D), vec),
            pl.BlockSpec((1, D), vec),
            pl.BlockSpec((1, D), vec),
            pl.BlockSpec((1, D), vec),
        ],
        out_specs=[
            pl.BlockSpec((blk, D), lambda i: (i, 0)),
            pl.BlockSpec((blk, D), lambda i: (i, 0)),
        ],
        out_shape=[
            jax.ShapeDtypeStruct((E, D), F32),
            jax.ShapeDtypeStruct((E, D), F32),
        ],
    )(edge, g, eW1, eb1.reshape(1, D), eW2, eb2.reshape(1, D),
      eg.reshape(1, D), ebeta.reshape(1, D))


def _scatter_body(h_hbm, rcv_hbm, zero_hbm, agg_hbm,
                  idx_r, rows, agg_sh, sem):
    c = lax.axis_index("c")
    s = lax.axis_index("s")
    wid = s * NC + c
    ebase = wid * EW

    @pl.when(s == 0)
    def _():
        pltpu.sync_copy(zero_hbm, agg_sh)

    plsc.subcore_barrier()
    pltpu.sync_copy(rcv_hbm.at[wid], idx_r)

    def issue(g, buf):
        pltpu.async_copy(h_hbm.at[pl.ds(ebase + g * GB, GB)], rows.at[buf],
                         sem.at[buf])

    def drain(g, buf):
        pltpu.make_async_copy(h_hbm.at[pl.ds(ebase + g * GB, GB)], rows.at[buf],
                              sem.at[buf]).wait()

    def scat(g, buf):
        pltpu.sync_copy(rows.at[buf], agg_sh.at[idx_r.at[g]], add=True)

    issue(0, 0)

    def pair(t, carry):
        g0 = 2 * t
        drain(g0, 0)
        issue(g0 + 1, 1)
        scat(g0, 0)
        drain(g0 + 1, 1)
        issue(g0 + 2, 0)
        scat(g0 + 1, 1)
        return carry

    lax.fori_loop(0, (NG - 1) // 2, pair, 0)
    drain(NG - 1, 0)
    scat(NG - 1, 0)
    plsc.subcore_barrier()
    @pl.when(s < NS - 1)
    def _():
        pltpu.sync_copy(agg_sh.at[pl.ds(s * 624, 624)],
                        agg_hbm.at[c].at[pl.ds(s * 624, 624)])

    @pl.when(s == NS - 1)
    def _():
        pltpu.sync_copy(agg_sh.at[pl.ds(15 * 624, N - 15 * 624)],
                        agg_hbm.at[c].at[pl.ds(15 * 624, N - 15 * 624)])


def _scatter(h, rcv2d, zeros):
    mesh = plsc.VectorSubcoreMesh(core_axis_name="c", subcore_axis_name="s")
    f = functools.partial(
        pl.kernel,
        out_type=jax.ShapeDtypeStruct((NC, N, D), F32),
        mesh=mesh,
        scratch_types=[
            pltpu.VMEM((NG, GB), jnp.int32),
            pltpu.VMEM((2, GB, D), F32),
            pltpu.VMEM_SHARED((N, D), F32),
            pltpu.SemaphoreType.DMA((2,)),
        ],
    )(_scatter_body)
    return f(h, rcv2d, zeros)


def _node_body(n_ref, aa_ref, ab_ref, w1_ref, b1_ref, w2_ref, b2_ref,
               gm_ref, bt_ref, out_ref):
    x = n_ref[...]
    agg = aa_ref[0] + ab_ref[0]
    h1 = (jnp.dot(x, w1_ref[0:D, :], preferred_element_type=F32)
          + jnp.dot(agg, w1_ref[D:2 * D, :], preferred_element_type=F32))
    h1 = jnp.maximum(h1 + b1_ref[...], 0.0)
    h2 = jnp.dot(h1, w2_ref[...], preferred_element_type=F32) + b2_ref[...]
    out_ref[...] = _ln_rows(h2, gm_ref[...], bt_ref[...]) + x


def _node_mlp(node, aggs, nW1, nb1, nW2, nb2, ng, nbeta):
    blk = 2000
    vec = lambda i: (0, 0)
    return pl.pallas_call(
        _node_body,
        grid=(N // blk,),
        in_specs=[
            pl.BlockSpec((blk, D), lambda i: (i, 0)),
            pl.BlockSpec((1, blk, D), lambda i: (0, i, 0)),
            pl.BlockSpec((1, blk, D), lambda i: (1, i, 0)),
            pl.BlockSpec((2 * D, D), vec),
            pl.BlockSpec((1, D), vec),
            pl.BlockSpec((D, D), vec),
            pl.BlockSpec((1, D), vec),
            pl.BlockSpec((1, D), vec),
            pl.BlockSpec((1, D), vec),
        ],
        out_specs=pl.BlockSpec((blk, D), lambda i: (i, 0)),
        out_shape=jax.ShapeDtypeStruct((N, D), F32),
    )(node, aggs, aggs, nW1, nb1.reshape(1, D), nW2, nb2.reshape(1, D),
      ng.reshape(1, D), nbeta.reshape(1, D))


def kernel(node_features, edge_features, senders, receivers,
           eW1, eb1, eW2, eb2, eg, ebeta,
           nW1, nb1, nW2, nb2, ng, nbeta):
    snd2d = senders.reshape(NW, NG, GB)
    rcv2d = receivers.reshape(NW, NG, GB)
    ps, pd = _project(node_features, eW1)
    g = _gather(ps, pd, snd2d, rcv2d)
    h, new_edge = _edge_mlp(edge_features, g, eW1, eb1, eW2, eb2, eg, ebeta)
    zeros = jnp.zeros((N, D), F32)
    aggs = _scatter(h, rcv2d, zeros)
    new_node = _node_mlp(node_features, aggs, nW1, nb1, nW2, nb2, ng, nbeta)
    return (new_node, new_edge)

# --- scband reference (transcript-rebuilt; emitter-appended) ---
"""Pipeline reference for scband-graph-net-block-63445256896966 (READ-ONLY COPY).

The authoritative reference and input builder live on the scoring server;
editing this copy changes nothing except your own understanding.
"""

import jax, jax.numpy as jnp
import numpy as np

N_NODES = 10000
N_EDGES = 320000
D = 128


def _ln(x, g, b):
    m = jnp.mean(x, axis=-1, keepdims=True)
    v = jnp.mean((x - m) ** 2, axis=-1, keepdims=True)
    return (x - m) / jnp.sqrt(v + 1e-5) * g + b


def setup_inputs(seed: int = 0) -> dict:
    key = jax.random.key(seed)
    ks = [jax.random.fold_in(key, i) for i in range(20)]
    node_features = jax.random.normal(ks[0], (N_NODES, D), dtype=jnp.float32)
    edge_features = jax.random.normal(ks[1], (N_EDGES, D), dtype=jnp.float32)
    senders = jax.random.randint(ks[2], (N_EDGES,), 0, N_NODES, dtype=jnp.int32)
    receivers = jax.random.randint(ks[3], (N_EDGES,), 0, N_NODES, dtype=jnp.int32)
    # edge MLP params: in = 2*D + D = 384 -> 128 -> 128, LayerNorm
    eW1 = jax.random.normal(ks[4], (3 * D, D), dtype=jnp.float32) * 0.02
    eb1 = jnp.zeros((D,), dtype=jnp.float32)
    eW2 = jax.random.normal(ks[5], (D, D), dtype=jnp.float32) * 0.02
    eb2 = jnp.zeros((D,), dtype=jnp.float32)
    eg = jnp.ones((D,), dtype=jnp.float32)
    ebeta = jnp.zeros((D,), dtype=jnp.float32)
    # node MLP params: in = D + num_edge_sets*D = 256 -> 128 -> 128, LayerNorm
    nW1 = jax.random.normal(ks[6], (2 * D, D), dtype=jnp.float32) * 0.02
    nb1 = jnp.zeros((D,), dtype=jnp.float32)
    nW2 = jax.random.normal(ks[7], (D, D), dtype=jnp.float32) * 0.02
    nb2 = jnp.zeros((D,), dtype=jnp.float32)
    ng = jnp.ones((D,), dtype=jnp.float32)
    nbeta = jnp.zeros((D,), dtype=jnp.float32)
    return {"node_features": node_features, "edge_features": edge_features,
            "senders": senders, "receivers": receivers,
            "eW1": eW1, "eb1": eb1, "eW2": eW2, "eb2": eb2, "eg": eg, "ebeta": ebeta,
            "nW1": nW1, "nb1": nb1, "nW2": nW2, "nb2": nb2, "ng": ng, "nbeta": nbeta}


def reference(node_features, edge_features, senders, receivers,
              eW1, eb1, eW2, eb2, eg, ebeta,
              nW1, nb1, nW2, nb2, ng, nbeta):
    # _update_edge_features: gather src/dst node feats, concat with edge feats, MLP+LN
    srcs = node_features[senders, :]
    dsts = node_features[receivers, :]
    e_in = jnp.concatenate([srcs, dsts, edge_features], axis=-1)
    h = jax.nn.relu(e_in @ eW1 + eb1)
    h = h @ eW2 + eb2
    h = _ln(h, eg, ebeta)
    # _update_node_features: unsorted segment sum of new edge features by receiver
    agg = jax.ops.segment_sum(h, receivers, num_segments=node_features.shape[0])
    n_in = jnp.concatenate([node_features, agg], axis=-1)
    hn = jax.nn.relu(n_in @ nW1 + nb1)
    hn = hn @ nW2 + nb2
    hn = _ln(hn, ng, nbeta)
    # residuals
    new_node_features = hn + node_features
    new_edge_features = h + edge_features
    return (new_node_features, new_edge_features)

if __name__ == "__main__":
    import jax
    _d = setup_inputs()
    print(jax.jit(kernel)(*tuple(_d.values())))

</pallas_src>

<mosaic_0001>
#map = affine_map<(d0, d1) -> (0, 0)>
#map1 = affine_map<(d0, d1) -> (0, 0, 0)>
module attributes {stable_mosaic.version = 14 : i64} {
  func.func @_scatter_body(%arg0: i32, %arg1: i32, %arg2: memref<320000x128xf32, #tpu.memory_space<hbm>>, %arg3: memref<32x125x80xi32, #tpu.memory_space<hbm>>, %arg4: memref<10000x128xf32, #tpu.memory_space<hbm>>, %arg5: memref<2x10000x128xf32, #tpu.memory_space<hbm>>, %arg6: memref<125x80xi32, #tpu.memory_space<vmem>>, %arg7: memref<2x80x128xf32, #tpu.memory_space<vmem>>, %arg8: memref<10000x128xf32, #tpu.memory_space<vmem_shared>>, %arg9: memref<2x!tpu.dma_semaphore, #tpu.memory_space<semaphore_mem>>) attributes {dimension_semantics = [#tpu.dimension_semantics<core_parallel>, #tpu.dimension_semantics<subcore_parallel>], iteration_bounds = array<i64: 2, 16>, scalar_prefetch = 0 : i64, scratch_operands = 4 : i64, tpu.core_type = #tpu.core_type<sc_vector_subcore>, window_params = [{transform_indices = #map}, {transform_indices = #map1}, {transform_indices = #map}, {transform_indices = #map1}]} {
    %mul3A = arith.constant 2 : i32
    %mul3A_0 = arith.muli %arg1, %mul3A : i32
    %add3A = arith.addi %mul3A_0, %arg0 : i32
    %mul3A_1 = arith.constant 10000 : i32
    %mul3A_2 = arith.muli %add3A, %mul3A_1 : i32
    %eq3A = arith.constant 0 : i32
    %eq3A_3 = arith.cmpi eq, %arg1, %eq3A : i32
    %convert_element_type3A = arith.extui %eq3A_3 : i1 to i32
    %cond3A = arith.constant 0 : i32
    %cond3A_4 = arith.cmpi ne, %convert_element_type3A, %cond3A : i32
    scf.if %cond3A_4 {
      "tpu.region"() ({
        %run_scoped3A_55 = tpu.sem_alloc : memref<!tpu.dma_semaphore, #tpu.memory_space<semaphore_mem>>
        tpu.enqueue_dma source(%arg4 : memref<10000x128xf32, #tpu.memory_space<hbm>>) target(%arg8 : memref<10000x128xf32, #tpu.memory_space<vmem_shared>>) target_semaphore(%run_scoped3A_55 : memref<!tpu.dma_semaphore, #tpu.memory_space<semaphore_mem>>)
        tpu.wait_dma2 semaphore(%run_scoped3A_55 : memref<!tpu.dma_semaphore, #tpu.memory_space<semaphore_mem>>) src(%arg4 : memref<10000x128xf32, #tpu.memory_space<hbm>>) dst(%arg8 : memref<10000x128xf32, #tpu.memory_space<vmem_shared>>)
        tpu.yield
      }) : () -> ()
    } else {
    }
    %barrier3A = arith.constant 0 : index
    tpu.barrier barrier_id(%barrier3A)
    "tpu.region"() ({
      %run_scoped3A_55 = tpu.sem_alloc : memref<!tpu.dma_semaphore, #tpu.memory_space<semaphore_mem>>
      %dma_start3A_56 = arith.constant 0 : i32
      %dma_start3A_57 = arith.constant 0 : i32
      %dma_start3A_58 = tpu.memref_slice %arg3[%add3A, %dma_start3A_56, %dma_start3A_57] : memref<32x125x80xi32, #tpu.memory_space<hbm>> -> memref<1x125x80xi32, #tpu.memory_space<hbm>>
      %dma_start3A_59 = tpu.memref_squeeze %dma_start3A_58 : memref<1x125x80xi32, #tpu.memory_space<hbm>> -> memref<125x80xi32, #tpu.memory_space<hbm>>
      %dma_start3A_60 = arith.constant 0 : i32
      %dma_start3A_61 = arith.constant 0 : i32
      %dma_start3A_62 = tpu.memref_slice %arg3[%add3A, %dma_start3A_60, %dma_start3A_61] : memref<32x125x80xi32, #tpu.memory_space<hbm>> -> memref<1x125x80xi32, #tpu.memory_space<hbm>>
      %dma_start3A_63 = tpu.memref_squeeze %dma_start3A_62 : memref<1x125x80xi32, #tpu.memory_space<hbm>> -> memref<125x80xi32, #tpu.memory_space<hbm>>
      tpu.enqueue_dma source(%dma_start3A_63 : memref<125x80xi32, #tpu.memory_space<hbm>>) target(%arg6 : memref<125x80xi32, #tpu.memory_space<vmem>>) target_semaphore(%run_scoped3A_55 : memref<!tpu.dma_semaphore, #tpu.memory_space<semaphore_mem>>)
      %dma_wait3A_64 = arith.constant 0 : i32
      %dma_wait3A_65 = arith.constant 0 : i32
      %dma_wait3A_66 = tpu.memref_slice %arg3[%add3A, %dma_wait3A_64, %dma_wait3A_65] : memref<32x125x80xi32, #tpu.memory_space<hbm>> -> memref<1x125x80xi32, #tpu.memory_space<hbm>>
      %dma_wait3A_67 = tpu.memref_squeeze %dma_wait3A_66 : memref<1x125x80xi32, #tpu.memory_space<hbm>> -> memref<125x80xi32, #tpu.memory_space<hbm>>
      %dma_wait3A_68 = arith.constant 0 : i32
      %dma_wait3A_69 = arith.constant 0 : i32
      %dma_wait3A_70 = tpu.memref_slice %arg3[%add3A, %dma_wait3A_68, %dma_wait3A_69] : memref<32x125x80xi32, #tpu.memory_space<hbm>> -> memref<1x125x80xi32, #tpu.memory_space<hbm>>
      %dma_wait3A_71 = tpu.memref_squeeze %dma_wait3A_70 : memref<1x125x80xi32, #tpu.memory_space<hbm>> -> memref<125x80xi32, #tpu.memory_space<hbm>>
      tpu.wait_dma2 semaphore(%run_scoped3A_55 : memref<!tpu.dma_semaphore, #tpu.memory_space<semaphore_mem>>) src(%dma_wait3A_71 : memref<125x80xi32, #tpu.memory_space<hbm>>) dst(%arg6 : memref<125x80xi32, #tpu.memory_space<vmem>>)
      tpu.yield
    }) : () -> ()
    %add3A_5 = arith.constant 0 : i32
    %add3A_6 = arith.addi %mul3A_2, %add3A_5 : i32
    %dma_start3A = arith.constant 0 : i32
    %dma_start3A_7 = arith.constant 0 : i32
    %dma_start3A_8 = arith.constant 0 : i32
    %dma_start3A_9 = arith.constant 0 : i32
    %dma_start3A_10 = tpu.memref_slice %arg7[%dma_start3A, %dma_start3A_8, %dma_start3A_9] : memref<2x80x128xf32, #tpu.memory_space<vmem>> -> memref<1x80x128xf32, #tpu.memory_space<vmem>>
    %dma_start3A_11 = tpu.memref_squeeze %dma_start3A_10 : memref<1x80x128xf32, #tpu.memory_space<vmem>> -> memref<80x128xf32, #tpu.memory_space<vmem>>
    %dma_start3A_12 = arith.constant 0 : i32
    %dma_start3A_13 = tpu.memref_slice %arg2[%add3A_6, %dma_start3A_12] : memref<320000x128xf32, #tpu.memory_space<hbm>> -> memref<80x128xf32, #tpu.memory_space<hbm>>
    %dma_start3A_14 = tpu.memref_slice %arg9[%dma_start3A_7] : memref<2x!tpu.dma_semaphore, #tpu.memory_space<semaphore_mem>> -> memref<1x!tpu.dma_semaphore, #tpu.memory_space<semaphore_mem>>
    %dma_start3A_15 = tpu.memref_squeeze %dma_start3A_14 : memref<1x!tpu.dma_semaphore, #tpu.memory_space<semaphore_mem>> -> memref<!tpu.dma_semaphore, #tpu.memory_space<semaphore_mem>>
    %dma_start3A_16 = arith.constant 0 : i32
    %dma_start3A_17 = arith.constant 0 : i32
    %dma_start3A_18 = tpu.memref_slice %arg7[%dma_start3A, %dma_start3A_16, %dma_start3A_17] : memref<2x80x128xf32, #tpu.memory_space<vmem>> -> memref<1x80x128xf32, #tpu.memory_space<vmem>>
    %dma_start3A_19 = tpu.memref_squeeze %dma_start3A_18 : memref<1x80x128xf32, #tpu.memory_space<vmem>> -> memref<80x128xf32, #tpu.memory_space<vmem>>
    %dma_start3A_20 = arith.constant 0 : i32
    %dma_start3A_21 = tpu.memref_slice %arg2[%add3A_6, %dma_start3A_20] : memref<320000x128xf32, #tpu.memory_space<hbm>> -> memref<80x128xf32, #tpu.memory_space<hbm>>
    tpu.enqueue_dma source(%dma_start3A_21 : memref<80x128xf32, #tpu.memory_space<hbm>>) target(%dma_start3A_19 : memref<80x128xf32, #tpu.memory_space<vmem>>) target_semaphore(%dma_start3A_15 : memref<!tpu.dma_semaphore, #tpu.memory_space<semaphore_mem>>)
    %scan3A = arith.constant 0 : i32
    %scan3A_22 = arith.constant 0 : i32
    %scan3A_23 = arith.constant 62 : i32
    %scan3A_24 = arith.addi %scan3A_22, %scan3A_23 : i32
    %scan3A_25 = arith.constant 1 : i32
    scf.for %scan3A_55 = %scan3A_22 to %scan3A_24 step %scan3A_25  : i32 {
      %mul3A_56 = arith.constant 2 : i32
      %mul3A_57 = arith.muli %mul3A_56, %scan3A_55 : i32
      %mul3A_58 = arith.constant 80 : i32
      %mul3A_59 = arith.muli %mul3A_57, %mul3A_58 : i32
      %add3A_60 = arith.addi %mul3A_2, %mul3A_59 : i32
      %dma_wait3A_61 = arith.constant 0 : i32
      %dma_wait3A_62 = arith.constant 0 : i32
      %dma_wait3A_63 = arith.constant 0 : i32
      %dma_wait3A_64 = arith.constant 0 : i32
      %dma_wait3A_65 = tpu.memref_slice %arg7[%dma_wait3A_61, %dma_wait3A_63, %dma_wait3A_64] : memref<2x80x128xf32, #tpu.memory_space<vmem>> -> memref<1x80x128xf32, #tpu.memory_space<vmem>>
      %dma_wait3A_66 = tpu.memref_squeeze %dma_wait3A_65 : memref<1x80x128xf32, #tpu.memory_space<vmem>> -> memref<80x128xf32, #tpu.memory_space<vmem>>
      %dma_wait3A_67 = arith.constant 0 : i32
      %dma_wait3A_68 = tpu.memref_slice %arg2[%add3A_60, %dma_wait3A_67] : memref<320000x128xf32, #tpu.memory_space<hbm>> -> memref<80x128xf32, #tpu.memory_space<hbm>>
      %dma_wait3A_69 = tpu.memref_slice %arg9[%dma_wait3A_62] : memref<2x!tpu.dma_semaphore, #tpu.memory_space<semaphore_mem>> -> memref<1x!tpu.dma_semaphore, #tpu.memory_space<semaphore_mem>>
      %dma_wait3A_70 = tpu.memref_squeeze %dma_wait3A_69 : memref<1x!tpu.dma_semaphore, #tpu.memory_space<semaphore_mem>> -> memref<!tpu.dma_semaphore, #tpu.memory_space<semaphore_mem>>
      %dma_wait3A_71 = arith.constant 0 : i32
      %dma_wait3A_72 = arith.constant 0 : i32
      %dma_wait3A_73 = tpu.memref_slice %arg7[%dma_wait3A_61, %dma_wait3A_71, %dma_wait3A_72] : memref<2x80x128xf32, #tpu.memory_space<vmem>> -> memref<1x80x128xf32, #tpu.memory_space<vmem>>
      %dma_wait3A_74 = tpu.memref_squeeze %dma_wait3A_73 : memref<1x80x128xf32, #tpu.memory_space<vmem>> -> memref<80x128xf32, #tpu.memory_space<vmem>>
      %dma_wait3A_75 = arith.constant 0 : i32
      %dma_wait3A_76 = tpu.memref_slice %arg2[%add3A_60, %dma_wait3A_75] : memref<320000x128xf32, #tpu.memory_space<hbm>> -> memref<80x128xf32, #tpu.memory_space<hbm>>
      tpu.wait_dma2 semaphore(%dma_wait3A_70 : memref<!tpu.dma_semaphore, #tpu.memory_space<semaphore_mem>>) src(%dma_wait3A_76 : memref<80x128xf32, #tpu.memory_space<hbm>>) dst(%dma_wait3A_74 : memref<80x128xf32, #tpu.memory_space<vmem>>)
      %add3A_77 = arith.constant 1 : i32
      %add3A_78 = arith.addi %mul3A_57, %add3A_77 : i32
      %mul3A_79 = arith.constant 80 : i32
      %mul3A_80 = arith.muli %add3A_78, %mul3A_79 : i32
      %add3A_81 = arith.addi %mul3A_2, %mul3A_80 : i32
      %dma_start3A_82 = arith.constant 1 : i32
      %dma_start3A_83 = arith.constant 1 : i32
      %dma_start3A_84 = arith.constant 0 : i32
      %dma_start3A_85 = arith.constant 0 : i32
      %dma_start3A_86 = tpu.memref_slice %arg7[%dma_start3A_82, %dma_start3A_84, %dma_start3A_85] : memref<2x80x128xf32, #tpu.memory_space<vmem>> -> memref<1x80x128xf32, #tpu.memory_space<vmem>>
      %dma_start3A_87 = tpu.memref_squeeze %dma_start3A_86 : memref<1x80x128xf32, #tpu.memory_space<vmem>> -> memref<80x128xf32, #tpu.memory_space<vmem>>
      %dma_start3A_88 = arith.constant 0 : i32
      %dma_start3A_89 = tpu.memref_slice %arg2[%add3A_81, %dma_start3A_88] : memref<320000x128xf32, #tpu.memory_space<hbm>> -> memref<80x128xf32, #tpu.memory_space<hbm>>
      %dma_start3A_90 = tpu.memref_slice %arg9[%dma_start3A_83] : memref<2x!tpu.dma_semaphore, #tpu.memory_space<semaphore_mem>> -> memref<1x!tpu.dma_semaphore, #tpu.memory_space<semaphore_mem>>
      %dma_start3A_91 = tpu.memref_squeeze %dma_start3A_90 : memref<1x!tpu.dma_semaphore, #tpu.memory_space<semaphore_mem>> -> memref<!tpu.dma_semaphore, #tpu.memory_space<semaphore_mem>>
      %dma_start3A_92 = arith.constant 0 : i32
      %dma_start3A_93 = arith.constant 0 : i32
      %dma_start3A_94 = tpu.memref_slice %arg7[%dma_start3A_82, %dma_start3A_92, %dma_start3A_93] : memref<2x80x128xf32, #tpu.memory_space<vmem>> -> memref<1x80x128xf32, #tpu.memory_space<vmem>>
      %dma_start3A_95 = tpu.memref_squeeze %dma_start3A_94 : memref<1x80x128xf32, #tpu.memory_space<vmem>> -> memref<80x128xf32, #tpu.memory_space<vmem>>
      %dma_start3A_96 = arith.constant 0 : i32
      %dma_start3A_97 = tpu.memref_slice %arg2[%add3A_81, %dma_start3A_96] : memref<320000x128xf32, #tpu.memory_space<hbm>> -> memref<80x128xf32, #tpu.memory_space<hbm>>
      tpu.enqueue_dma source(%dma_start3A_97 : memref<80x128xf32, #tpu.memory_space<hbm>>) target(%dma_start3A_95 : memref<80x128xf32, #tpu.memory_space<vmem>>) target_semaphore(%dma_start3A_91 : memref<!tpu.dma_semaphore, #tpu.memory_space<semaphore_mem>>)
      %run_scoped3A_98 = arith.constant 0 : i32
      "tpu.region"() ({
        %run_scoped3A_144 = tpu.sem_alloc : memref<!tpu.dma_semaphore, #tpu.memory_space<semaphore_mem>>
        %dma_start3A_145 = arith.constant 0 : i32
        %dma_start3A_146 = arith.constant 0 : i32
        %dma_start3A_147 = tpu.memref_slice %arg7[%run_scoped3A_98, %dma_start3A_145, %dma_start3A_146] : memref<2x80x128xf32, #tpu.memory_space<vmem>> -> memref<1x80x128xf32, #tpu.memory_space<vmem>>
        %dma_start3A_148 = tpu.memref_squeeze %dma_start3A_147 : memref<1x80x128xf32, #tpu.memory_space<vmem>> -> memref<80x128xf32, #tpu.memory_space<vmem>>
        %dma_start3A_149 = arith.constant 0 : i32
        %dma_start3A_150 = tpu.memref_slice %arg6[%mul3A_57, %dma_start3A_149] : memref<125x80xi32, #tpu.memory_space<vmem>> -> memref<1x80xi32, #tpu.memory_space<vmem>>
        %dma_start3A_151 = tpu.memref_squeeze %dma_start3A_150 : memref<1x80xi32, #tpu.memory_space<vmem>> -> memref<80xi32, #tpu.memory_space<vmem>>
        %dma_start3A_152 = arith.constant 0 : i32
        %dma_start3A_153 = arith.constant 0 : i32
        %dma_start3A_154 = tpu.memref_slice %arg8[%dma_start3A_152, %dma_start3A_153] : memref<10000x128xf32, #tpu.memory_space<vmem_shared>> -> memref<10000x128xf32, #tpu.memory_space<vmem_shared>>
        tpu.enqueue_indirect_dma source(%dma_start3A_148 : memref<80x128xf32, #tpu.memory_space<vmem>>) target(%dma_start3A_154 : memref<10000x128xf32, #tpu.memory_space<vmem_shared>>) offsets(%dma_start3A_151 : memref<80xi32, #tpu.memory_space<vmem>>) semaphore(%run_scoped3A_144 : memref<!tpu.dma_semaphore, #tpu.memory_space<semaphore_mem>>) {add = true}
        %dma_wait3A_155 = arith.constant 0 : i32
        %dma_wait3A_156 = arith.constant 0 : i32
        %dma_wait3A_157 = tpu.memref_slice %arg7[%run_scoped3A_98, %dma_wait3A_155, %dma_wait3A_156] : memref<2x80x128xf32, #tpu.memory_space<vmem>> -> memref<1x80x128xf32, #tpu.memory_space<vmem>>
        %dma_wait3A_158 = tpu.memref_squeeze %dma_wait3A_157 : memref<1x80x128xf32, #tpu.memory_space<vmem>> -> memref<80x128xf32, #tpu.memory_space<vmem>>
        %dma_wait3A_159 = arith.constant 0 : i32
        %dma_wait3A_160 = tpu.memref_slice %arg6[%mul3A_57, %dma_wait3A_159] : memref<125x80xi32, #tpu.memory_space<vmem>> -> memref<1x80xi32, #tpu.memory_space<vmem>>
        %dma_wait3A_161 = tpu.memref_squeeze %dma_wait3A_160 : memref<1x80xi32, #tpu.memory_space<vmem>> -> memref<80xi32, #tpu.memory_space<vmem>>
        %dma_wait3A_162 = arith.constant 0 : i32
        %dma_wait3A_163 = arith.constant 0 : i32
        %dma_wait3A_164 = tpu.memref_slice %arg8[%dma_wait3A_162, %dma_wait3A_163] : memref<10000x128xf32, #tpu.memory_space<vmem_shared>> -> memref<10000x128xf32, #tpu.memory_space<vmem_shared>>
        tpu.wait_indirect_dma semaphore(%run_scoped3A_144 : memref<!tpu.dma_semaphore, #tpu.memory_space<semaphore_mem>>) src(%dma_wait3A_158 : memref<80x128xf32, #tpu.memory_space<vmem>>) dst(%dma_wait3A_164 : memref<10000x128xf32, #tpu.memory_space<vmem_shared>>)
        tpu.yield
      }) : () -> ()
      %add3A_99 = arith.constant 1 : i32
      %add3A_100 = arith.addi %mul3A_57, %add3A_99 : i32
      %mul3A_101 = arith.constant 80 : i32
      %mul3A_102 = arith.muli %add3A_100, %mul3A_101 : i32
      %add3A_103 = arith.addi %mul3A_2, %mul3A_102 : i32
      %dma_wait3A_104 = arith.constant 1 : i32
      %dma_wait3A_105 = arith.constant 1 : i32
      %dma_wait3A_106 = arith.constant 0 : i32
      %dma_wait3A_107 = arith.constant 0 : i32
      %dma_wait3A_108 = tpu.memref_slice %arg7[%dma_wait3A_104, %dma_wait3A_106, %dma_wait3A_107] : memref<2x80x128xf32, #tpu.memory_space<vmem>> -> memref<1x80x128xf32, #tpu.memory_space<vmem>>
      %dma_wait3A_109 = tpu.memref_squeeze %dma_wait3A_108 : memref<1x80x128xf32, #tpu.memory_space<vmem>> -> memref<80x128xf32, #tpu.memory_space<vmem>>
      %dma_wait3A_110 = arith.constant 0 : i32
      %dma_wait3A_111 = tpu.memref_slice %arg2[%add3A_103, %dma_wait3A_110] : memref<320000x128xf32, #tpu.memory_space<hbm>> -> memref<80x128xf32, #tpu.memory_space<hbm>>
      %dma_wait3A_112 = tpu.memref_slice %arg9[%dma_wait3A_105] : memref<2x!tpu.dma_semaphore, #tpu.memory_space<semaphore_mem>> -> memref<1x!tpu.dma_semaphore, #tpu.memory_space<semaphore_mem>>
      %dma_wait3A_113 = tpu.memref_squeeze %dma_wait3A_112 : memref<1x!tpu.dma_semaphore, #tpu.memory_space<semaphore_mem>> -> memref<!tpu.dma_semaphore, #tpu.memory_space<semaphore_mem>>
      %dma_wait3A_114 = arith.constant 0 : i32
      %dma_wait3A_115 = arith.constant 0 : i32
      %dma_wait3A_116 = tpu.memref_slice %arg7[%dma_wait3A_104, %dma_wait3A_114, %dma_wait3A_115] : memref<2x80x128xf32, #tpu.memory_space<vmem>> -> memref<1x80x128xf32, #tpu.memory_space<vmem>>
      %dma_wait3A_117 = tpu.memref_squeeze %dma_wait3A_116 : memref<1x80x128xf32, #tpu.memory_space<vmem>> -> memref<80x128xf32, #tpu.memory_space<vmem>>
      %dma_wait3A_118 = arith.constant 0 : i32
      %dma_wait3A_119 = tpu.memref_slice %arg2[%add3A_103, %dma_wait3A_118] : memref<320000x128xf32, #tpu.memory_space<hbm>> -> memref<80x128xf32, #tpu.memory_space<hbm>>
      tpu.wait_dma2 semaphore(%dma_wait3A_113 : memref<!tpu.dma_semaphore, #tpu.memory_space<semaphore_mem>>) src(%dma_wait3A_119 : memref<80x128xf32, #tpu.memory_space<hbm>>) dst(%dma_wait3A_117 : memref<80x128xf32, #tpu.memory_space<vmem>>)
      %add3A_120 = arith.constant 2 : i32
      %add3A_121 = arith.addi %mul3A_57, %add3A_120 : i32
      %mul3A_122 = arith.constant 80 : i32
      %mul3A_123 = arith.muli %add3A_121, %mul3A_122 : i32
      %add3A_124 = arith.addi %mul3A_2, %mul3A_123 : i32
      %dma_start3A_125 = arith.constant 0 : i32
      %dma_start3A_126 = arith.constant 0 : i32
      %dma_start3A_127 = arith.constant 0 : i32
      %dma_start3A_128 = arith.constant 0 : i32
      %dma_start3A_129 = tpu.memref_slice %arg7[%dma_start3A_125, %dma_start3A_127, %dma_start3A_128] : memref<2x80x128xf32, #tpu.memory_space<vmem>> -> memref<1x80x128xf32, #tpu.memory_space<vmem>>
      %dma_start3A_130 = tpu.memref_squeeze %dma_start3A_129 : memref<1x80x128xf32, #tpu.memory_space<vmem>> -> memref<80x128xf32, #tpu.memory_space<vmem>>
      %dma_start3A_131 = arith.constant 0 : i32
      %dma_start3A_132 = tpu.memref_slice %arg2[%add3A_124, %dma_start3A_131] : memref<320000x128xf32, #tpu.memory_space<hbm>> -> memref<80x128xf32, #tpu.memory_space<hbm>>
      %dma_start3A_133 = tpu.memref_slice %arg9[%dma_start3A_126] : memref<2x!tpu.dma_semaphore, #tpu.memory_space<semaphore_mem>> -> memref<1x!tpu.dma_semaphore, #tpu.memory_space<semaphore_mem>>
      %dma_start3A_134 = tpu.memref_squeeze %dma_start3A_133 : memref<1x!tpu.dma_semaphore, #tpu.memory_space<semaphore_mem>> -> memref<!tpu.dma_semaphore, #tpu.memory_space<semaphore_mem>>
      %dma_start3A_135 = arith.constant 0 : i32
      %dma_start3A_136 = arith.constant 0 : i32
      %dma_start3A_137 = tpu.memref_slice %arg7[%dma_start3A_125, %dma_start3A_135, %dma_start3A_136] : memref<2x80x128xf32, #tpu.memory_space<vmem>> -> memref<1x80x128xf32, #tpu.memory_space<vmem>>
      %dma_start3A_138 = tpu.memref_squeeze %dma_start3A_137 : memref<1x80x128xf32, #tpu.memory_space<vmem>> -> memref<80x128xf32, #tpu.memory_space<vmem>>
      %dma_start3A_139 = arith.constant 0 : i32
      %dma_start3A_140 = tpu.memref_slice %arg2[%add3A_124, %dma_start3A_139] : memref<320000x128xf32, #tpu.memory_space<hbm>> -> memref<80x128xf32, #tpu.memory_space<hbm>>
      tpu.enqueue_dma source(%dma_start3A_140 : memref<80x128xf32, #tpu.memory_space<hbm>>) target(%dma_start3A_138 : memref<80x128xf32, #tpu.memory_space<vmem>>) target_semaphore(%dma_start3A_134 : memref<!tpu.dma_semaphore, #tpu.memory_space<semaphore_mem>>)
      %add3A_141 = arith.constant 1 : i32
      %add3A_142 = arith.addi %mul3A_57, %add3A_141 : i32
      %run_scoped3A_143 = arith.constant 1 : i32
      "tpu.region"() ({
        %run_scoped3A_144 = tpu.sem_alloc : memref<!tpu.dma_semaphore, #tpu.memory_space<semaphore_mem>>
        %dma_start3A_145 = arith.constant 0 : i32
        %dma_start3A_146 = arith.constant 0 : i32
        %dma_start3A_147 = tpu.memref_slice %arg7[%run_scoped3A_143, %dma_start3A_145, %dma_start3A_146] : memref<2x80x128xf32, #tpu.memory_space<vmem>> -> memref<1x80x128xf32, #tpu.memory_space<vmem>>
        %dma_start3A_148 = tpu.memref_squeeze %dma_start3A_147 : memref<1x80x128xf32, #tpu.memory_space<vmem>> -> memref<80x128xf32, #tpu.memory_space<vmem>>
        %dma_start3A_149 = arith.constant 0 : i32
        %dma_start3A_150 = tpu.memref_slice %arg6[%add3A_142, %dma_start3A_149] : memref<125x80xi32, #tpu.memory_space<vmem>> -> memref<1x80xi32, #tpu.memory_space<vmem>>
        %dma_start3A_151 = tpu.memref_squeeze %dma_start3A_150 : memref<1x80xi32, #tpu.memory_space<vmem>> -> memref<80xi32, #tpu.memory_space<vmem>>
        %dma_start3A_152 = arith.constant 0 : i32
        %dma_start3A_153 = arith.constant 0 : i32
        %dma_start3A_154 = tpu.memref_slice %arg8[%dma_start3A_152, %dma_start3A_153] : memref<10000x128xf32, #tpu.memory_space<vmem_shared>> -> memref<10000x128xf32, #tpu.memory_space<vmem_shared>>
        tpu.enqueue_indirect_dma source(%dma_start3A_148 : memref<80x128xf32, #tpu.memory_space<vmem>>) target(%dma_start3A_154 : memref<10000x128xf32, #tpu.memory_space<vmem_shared>>) offsets(%dma_start3A_151 : memref<80xi32, #tpu.memory_space<vmem>>) semaphore(%run_scoped3A_144 : memref<!tpu.dma_semaphore, #tpu.memory_space<semaphore_mem>>) {add = true}
        %dma_wait3A_155 = arith.constant 0 : i32
        %dma_wait3A_156 = arith.constant 0 : i32
        %dma_wait3A_157 = tpu.memref_slice %arg7[%run_scoped3A_143, %dma_wait3A_155, %dma_wait3A_156] : memref<2x80x128xf32, #tpu.memory_space<vmem>> -> memref<1x80x128xf32, #tpu.memory_space<vmem>>
        %dma_wait3A_158 = tpu.memref_squeeze %dma_wait3A_157 : memref<1x80x128xf32, #tpu.memory_space<vmem>> -> memref<80x128xf32, #tpu.memory_space<vmem>>
        %dma_wait3A_159 = arith.constant 0 : i32
        %dma_wait3A_160 = tpu.memref_slice %arg6[%add3A_142, %dma_wait3A_159] : memref<125x80xi32, #tpu.memory_space<vmem>> -> memref<1x80xi32, #tpu.memory_space<vmem>>
        %dma_wait3A_161 = tpu.memref_squeeze %dma_wait3A_160 : memref<1x80xi32, #tpu.memory_space<vmem>> -> memref<80xi32, #tpu.memory_space<vmem>>
        %dma_wait3A_162 = arith.constant 0 : i32
        %dma_wait3A_163 = arith.constant 0 : i32
        %dma_wait3A_164 = tpu.memref_slice %arg8[%dma_wait3A_162, %dma_wait3A_163] : memref<10000x128xf32, #tpu.memory_space<vmem_shared>> -> memref<10000x128xf32, #tpu.memory_space<vmem_shared>>
        tpu.wait_indirect_dma semaphore(%run_scoped3A_144 : memref<!tpu.dma_semaphore, #tpu.memory_space<semaphore_mem>>) src(%dma_wait3A_158 : memref<80x128xf32, #tpu.memory_space<vmem>>) dst(%dma_wait3A_164 : memref<10000x128xf32, #tpu.memory_space<vmem_shared>>)
        tpu.yield
      }) : () -> ()
    }
    %scan3A_26 = arith.constant 62 : i32
    %add3A_27 = arith.constant 9920 : i32
    %add3A_28 = arith.addi %mul3A_2, %add3A_27 : i32
    %dma_wait3A = arith.constant 0 : i32
    %dma_wait3A_29 = arith.constant 0 : i32
    %dma_wait3A_30 = arith.constant 0 : i32
    %dma_wait3A_31 = arith.constant 0 : i32
    %dma_wait3A_32 = tpu.memref_slice %arg7[%dma_wait3A, %dma_wait3A_30, %dma_wait3A_31] : memref<2x80x128xf32, #tpu.memory_space<vmem>> -> memref<1x80x128xf32, #tpu.memory_space<vmem>>
    %dma_wait3A_33 = tpu.memref_squeeze %dma_wait3A_32 : memref<1x80x128xf32, #tpu.memory_space<vmem>> -> memref<80x128xf32, #tpu.memory_space<vmem>>
    %dma_wait3A_34 = arith.constant 0 : i32
    %dma_wait3A_35 = tpu.memref_slice %arg2[%add3A_28, %dma_wait3A_34] : memref<320000x128xf32, #tpu.memory_space<hbm>> -> memref<80x128xf32, #tpu.memory_space<hbm>>
    %dma_wait3A_36 = tpu.memref_slice %arg9[%dma_wait3A_29] : memref<2x!tpu.dma_semaphore, #tpu.memory_space<semaphore_mem>> -> memref<1x!tpu.dma_semaphore, #tpu.memory_space<semaphore_mem>>
    %dma_wait3A_37 = tpu.memref_squeeze %dma_wait3A_36 : memref<1x!tpu.dma_semaphore, #tpu.memory_space<semaphore_mem>> -> memref<!tpu.dma_semaphore, #tpu.memory_space<semaphore_mem>>
    %dma_wait3A_38 = arith.constant 0 : i32
    %dma_wait3A_39 = arith.constant 0 : i32
    %dma_wait3A_40 = tpu.memref_slice %arg7[%dma_wait3A, %dma_wait3A_38, %dma_wait3A_39] : memref<2x80x128xf32, #tpu.memory_space<vmem>> -> memref<1x80x128xf32, #tpu.memory_space<vmem>>
    %dma_wait3A_41 = tpu.memref_squeeze %dma_wait3A_40 : memref<1x80x128xf32, #tpu.memory_space<vmem>> -> memref<80x128xf32, #tpu.memory_space<vmem>>
    %dma_wait3A_42 = arith.constant 0 : i32
    %dma_wait3A_43 = tpu.memref_slice %arg2[%add3A_28, %dma_wait3A_42] : memref<320000x128xf32, #tpu.memory_space<hbm>> -> memref<80x128xf32, #tpu.memory_space<hbm>>
    tpu.wait_dma2 semaphore(%dma_wait3A_37 : memref<!tpu.dma_semaphore, #tpu.memory_space<semaphore_mem>>) src(%dma_wait3A_43 : memref<80x128xf32, #tpu.memory_space<hbm>>) dst(%dma_wait3A_41 : memref<80x128xf32, #tpu.memory_space<vmem>>)
    %run_scoped3A = arith.constant 0 : i32
    %run_scoped3A_44 = arith.constant 124 : i32
    "tpu.region"() ({
      %run_scoped3A_55 = tpu.sem_alloc : memref<!tpu.dma_semaphore, #tpu.memory_space<semaphore_mem>>
      %dma_start3A_56 = arith.constant 0 : i32
      %dma_start3A_57 = arith.constant 0 : i32
      %dma_start3A_58 = tpu.memref_slice %arg7[%run_scoped3A, %dma_start3A_56, %dma_start3A_57] : memref<2x80x128xf32, #tpu.memory_space<vmem>> -> memref<1x80x128xf32, #tpu.memory_space<vmem>>
      %dma_start3A_59 = tpu.memref_squeeze %dma_start3A_58 : memref<1x80x128xf32, #tpu.memory_space<vmem>> -> memref<80x128xf32, #tpu.memory_space<vmem>>
      %dma_start3A_60 = arith.constant 0 : i32
      %dma_start3A_61 = tpu.memref_slice %arg6[%run_scoped3A_44, %dma_start3A_60] : memref<125x80xi32, #tpu.memory_space<vmem>> -> memref<1x80xi32, #tpu.memory_space<vmem>>
      %dma_start3A_62 = tpu.memref_squeeze %dma_start3A_61 : memref<1x80xi32, #tpu.memory_space<vmem>> -> memref<80xi32, #tpu.memory_space<vmem>>
      %dma_start3A_63 = arith.constant 0 : i32
      %dma_start3A_64 = arith.constant 0 : i32
      %dma_start3A_65 = tpu.memref_slice %arg8[%dma_start3A_63, %dma_start3A_64] : memref<10000x128xf32, #tpu.memory_space<vmem_shared>> -> memref<10000x128xf32, #tpu.memory_space<vmem_shared>>
      tpu.enqueue_indirect_dma source(%dma_start3A_59 : memref<80x128xf32, #tpu.memory_space<vmem>>) target(%dma_start3A_65 : memref<10000x128xf32, #tpu.memory_space<vmem_shared>>) offsets(%dma_start3A_62 : memref<80xi32, #tpu.memory_space<vmem>>) semaphore(%run_scoped3A_55 : memref<!tpu.dma_semaphore, #tpu.memory_space<semaphore_mem>>) {add = true}
      %dma_wait3A_66 = arith.constant 0 : i32
      %dma_wait3A_67 = arith.constant 0 : i32
      %dma_wait3A_68 = tpu.memref_slice %arg7[%run_scoped3A, %dma_wait3A_66, %dma_wait3A_67] : memref<2x80x128xf32, #tpu.memory_space<vmem>> -> memref<1x80x128xf32, #tpu.memory_space<vmem>>
      %dma_wait3A_69 = tpu.memref_squeeze %dma_wait3A_68 : memref<1x80x128xf32, #tpu.memory_space<vmem>> -> memref<80x128xf32, #tpu.memory_space<vmem>>
      %dma_wait3A_70 = arith.constant 0 : i32
      %dma_wait3A_71 = tpu.memref_slice %arg6[%run_scoped3A_44, %dma_wait3A_70] : memref<125x80xi32, #tpu.memory_space<vmem>> -> memref<1x80xi32, #tpu.memory_space<vmem>>
      %dma_wait3A_72 = tpu.memref_squeeze %dma_wait3A_71 : memref<1x80xi32, #tpu.memory_space<vmem>> -> memref<80xi32, #tpu.memory_space<vmem>>
      %dma_wait3A_73 = arith.constant 0 : i32
      %dma_wait3A_74 = arith.constant 0 : i32
      %dma_wait3A_75 = tpu.memref_slice %arg8[%dma_wait3A_73, %dma_wait3A_74] : memref<10000x128xf32, #tpu.memory_space<vmem_shared>> -> memref<10000x128xf32, #tpu.memory_space<vmem_shared>>
      tpu.wait_indirect_dma semaphore(%run_scoped3A_55 : memref<!tpu.dma_semaphore, #tpu.memory_space<semaphore_mem>>) src(%dma_wait3A_69 : memref<80x128xf32, #tpu.memory_space<vmem>>) dst(%dma_wait3A_75 : memref<10000x128xf32, #tpu.memory_space<vmem_shared>>)
      tpu.yield
    }) : () -> ()
    %barrier3A_45 = arith.constant 0 : index
    tpu.barrier barrier_id(%barrier3A_45)
    %lt3A = arith.constant 15 : i32
    %lt3A_46 = arith.cmpi slt, %arg1, %lt3A : i32
    %convert_element_type3A_47 = arith.extui %lt3A_46 : i1 to i32
    %cond3A_48 = arith.constant 0 : i32
    %cond3A_49 = arith.cmpi ne, %convert_element_type3A_47, %cond3A_48 : i32
    scf.if %cond3A_49 {
      %mul3A_55 = arith.constant 624 : i32
      %mul3A_56 = arith.muli %arg1, %mul3A_55 : i32
      %mul3A_57 = arith.constant 624 : i32
      %mul3A_58 = arith.muli %arg1, %mul3A_57 : i32
      "tpu.region"() ({
        %run_scoped3A_59 = tpu.sem_alloc : memref<!tpu.dma_semaphore, #tpu.memory_space<semaphore_mem>>
        %dma_start3A_60 = arith.constant 0 : i32
        %dma_start3A_61 = arith.constant 0 : i32
        %dma_start3A_62 = tpu.memref_slice %arg5[%arg0, %dma_start3A_60, %dma_start3A_61] : memref<2x10000x128xf32, #tpu.memory_space<hbm>> -> memref<1x10000x128xf32, #tpu.memory_space<hbm>>
        %dma_start3A_63 = tpu.memref_squeeze %dma_start3A_62 : memref<1x10000x128xf32, #tpu.memory_space<hbm>> -> memref<10000x128xf32, #tpu.memory_space<hbm>>
        %dma_start3A_64 = arith.constant 0 : i32
        %dma_start3A_65 = tpu.memref_slice %dma_start3A_63[%mul3A_58, %dma_start3A_64] : memref<10000x128xf32, #tpu.memory_space<hbm>> -> memref<624x128xf32, #tpu.memory_space<hbm>>
        %dma_start3A_66 = arith.constant 0 : i32
        %dma_start3A_67 = tpu.memref_slice %arg8[%mul3A_56, %dma_start3A_66] : memref<10000x128xf32, #tpu.memory_space<vmem_shared>> -> memref<624x128xf32, #tpu.memory_space<vmem_shared>>
        tpu.enqueue_dma source(%dma_start3A_67 : memref<624x128xf32, #tpu.memory_space<vmem_shared>>) target(%dma_start3A_65 : memref<624x128xf32, #tpu.memory_space<hbm>>) target_semaphore(%run_scoped3A_59 : memref<!tpu.dma_semaphore, #tpu.memory_space<semaphore_mem>>)
        %dma_wait3A_68 = arith.constant 0 : i32
        %dma_wait3A_69 = arith.constant 0 : i32
        %dma_wait3A_70 = tpu.memref_slice %arg5[%arg0, %dma_wait3A_68, %dma_wait3A_69] : memref<2x10000x128xf32, #tpu.memory_space<hbm>> -> memref<1x10000x128xf32, #tpu.memory_space<hbm>>
        %dma_wait3A_71 = tpu.memref_squeeze %dma_wait3A_70 : memref<1x10000x128xf32, #tpu.memory_space<hbm>> -> memref<10000x128xf32, #tpu.memory_space<hbm>>
        %dma_wait3A_72 = arith.constant 0 : i32
        %dma_wait3A_73 = tpu.memref_slice %dma_wait3A_71[%mul3A_58, %dma_wait3A_72] : memref<10000x128xf32, #tpu.memory_space<hbm>> -> memref<624x128xf32, #tpu.memory_space<hbm>>
        %dma_wait3A_74 = arith.constant 0 : i32
        %dma_wait3A_75 = tpu.memref_slice %arg8[%mul3A_56, %dma_wait3A_74] : memref<10000x128xf32, #tpu.memory_space<vmem_shared>> -> memref<624x128xf32, #tpu.memory_space<vmem_shared>>
        tpu.wait_dma2 semaphore(%run_scoped3A_59 : memref<!tpu.dma_semaphore, #tpu.memory_space<semaphore_mem>>) src(%dma_wait3A_75 : memref<624x128xf32, #tpu.memory_space<vmem_shared>>) dst(%dma_wait3A_73 : memref<624x128xf32, #tpu.memory_space<hbm>>)
        tpu.yield
      }) : () -> ()
    } else {
    }
    %eq3A_50 = arith.constant 15 : i32
    %eq3A_51 = arith.cmpi eq, %arg1, %eq3A_50 : i32
    %convert_element_type3A_52 = arith.extui %eq3A_51 : i1 to i32
    %cond3A_53 = arith.constant 0 : i32
    %cond3A_54 = arith.cmpi ne, %convert_element_type3A_52, %cond3A_53 : i32
    scf.if %cond3A_54 {
      "tpu.region"() ({
        %run_scoped3A_55 = tpu.sem_alloc : memref<!tpu.dma_semaphore, #tpu.memory_space<semaphore_mem>>
        %dma_start3A_56 = arith.constant 0 : i32
        %dma_start3A_57 = arith.constant 0 : i32
        %dma_start3A_58 = tpu.memref_slice %arg5[%arg0, %dma_start3A_56, %dma_start3A_57] : memref<2x10000x128xf32, #tpu.memory_space<hbm>> -> memref<1x10000x128xf32, #tpu.memory_space<hbm>>
        %dma_start3A_59 = tpu.memref_squeeze %dma_start3A_58 : memref<1x10000x128xf32, #tpu.memory_space<hbm>> -> memref<10000x128xf32, #tpu.memory_space<hbm>>
        %dma_start3A_60 = arith.constant 9360 : i32
        %dma_start3A_61 = arith.constant 0 : i32
        %dma_start3A_62 = tpu.memref_slice %dma_start3A_59[%dma_start3A_60, %dma_start3A_61] : memref<10000x128xf32, #tpu.memory_space<hbm>> -> memref<640x128xf32, #tpu.memory_space<hbm>>
        %dma_start3A_63 = arith.constant 9360 : i32
        %dma_start3A_64 = arith.constant 0 : i32
        %dma_start3A_65 = tpu.memref_slice %arg8[%dma_start3A_63, %dma_start3A_64] : memref<10000x128xf32, #tpu.memory_space<vmem_shared>> -> memref<640x128xf32, #tpu.memory_space<vmem_shared>>
        tpu.enqueue_dma source(%dma_start3A_65 : memref<640x128xf32, #tpu.memory_space<vmem_shared>>) target(%dma_start3A_62 : memref<640x128xf32, #tpu.memory_space<hbm>>) target_semaphore(%run_scoped3A_55 : memref<!tpu.dma_semaphore, #tpu.memory_space<semaphore_mem>>)
        %dma_wait3A_66 = arith.constant 0 : i32
        %dma_wait3A_67 = arith.constant 0 : i32
        %dma_wait3A_68 = tpu.memref_slice %arg5[%arg0, %dma_wait3A_66, %dma_wait3A_67] : memref<2x10000x128xf32, #tpu.memory_space<hbm>> -> memref<1x10000x128xf32, #tpu.memory_space<hbm>>
        %dma_wait3A_69 = tpu.memref_squeeze %dma_wait3A_68 : memref<1x10000x128xf32, #tpu.memory_space<hbm>> -> memref<10000x128xf32, #tpu.memory_space<hbm>>
        %dma_wait3A_70 = arith.constant 9360 : i32
        %dma_wait3A_71 = arith.constant 0 : i32
        %dma_wait3A_72 = tpu.memref_slice %dma_wait3A_69[%dma_wait3A_70, %dma_wait3A_71] : memref<10000x128xf32, #tpu.memory_space<hbm>> -> memref<640x128xf32, #tpu.memory_space<hbm>>
        %dma_wait3A_73 = arith.constant 9360 : i32
        %dma_wait3A_74 = arith.constant 0 : i32
        %dma_wait3A_75 = tpu.memref_slice %arg8[%dma_wait3A_73, %dma_wait3A_74] : memref<10000x128xf32, #tpu.memory_space<vmem_shared>> -> memref<640x128xf32, #tpu.memory_space<vmem_shared>>
        tpu.wait_dma2 semaphore(%run_scoped3A_55 : memref<!tpu.dma_semaphore, #tpu.memory_space<semaphore_mem>>) src(%dma_wait3A_75 : memref<640x128xf32, #tpu.memory_space<vmem_shared>>) dst(%dma_wait3A_72 : memref<640x128xf32, #tpu.memory_space<hbm>>)
        tpu.yield
      }) : () -> ()
    } else {
    }
    return
  }
}

#map = affine_map<(d0, d1) -> (0, 0)>
#map1 = affine_map<(d0, d1) -> (0, 0, 0)>
module attributes {stable_mosaic.version = 14 : i64} {
  func.func @_gather_body(%arg0: i32, %arg1: i32, %arg2: memref<10000x128xf32, #tpu.memory_space<hbm>>, %arg3: memref<10000x128xf32, #tpu.memory_space<hbm>>, %arg4: memref<32x125x80xi32, #tpu.memory_space<hbm>>, %arg5: memref<32x125x80xi32, #tpu.memory_space<hbm>>, %arg6: memref<320000x128xf32, #tpu.memory_space<hbm>>, %arg7: memref<125x80xi32, #tpu.memory_space<vmem>>, %arg8: memref<125x80xi32, #tpu.memory_space<vmem>>, %arg9: memref<2x80x128xf32, #tpu.memory_space<vmem>>, %arg10: memref<2x80x128xf32, #tpu.memory_space<vmem>>, %arg11: memref<2x!tpu.dma_semaphore, #tpu.memory_space<semaphore_mem>>, %arg12: memref<2x!tpu.dma_semaphore, #tpu.memory_space<semaphore_mem>>) attributes {dimension_semantics = [#tpu.dimension_semantics<core_parallel>, #tpu.dimension_semantics<subcore_parallel>], iteration_bounds = array<i64: 2, 16>, scalar_prefetch = 0 : i64, scratch_operands = 6 : i64, tpu.core_type = #tpu.core_type<sc_vector_subcore>, window_params = [{transform_indices = #map}, {transform_indices = #map}, {transform_indices = #map1}, {transform_indices = #map1}, {transform_indices = #map}]} {
    %mul3A = arith.constant 2 : i32
    %mul3A_0 = arith.muli %arg1, %mul3A : i32
    %add3A = arith.addi %mul3A_0, %arg0 : i32
    %mul3A_1 = arith.constant 10000 : i32
    %mul3A_2 = arith.muli %add3A, %mul3A_1 : i32
    "tpu.region"() ({
      %run_scoped3A_74 = tpu.sem_alloc : memref<!tpu.dma_semaphore, #tpu.memory_space<semaphore_mem>>
      %dma_start3A_75 = arith.constant 0 : i32
      %dma_start3A_76 = arith.constant 0 : i32
      %dma_start3A_77 = tpu.memref_slice %arg4[%add3A, %dma_start3A_75, %dma_start3A_76] : memref<32x125x80xi32, #tpu.memory_space<hbm>> -> memref<1x125x80xi32, #tpu.memory_space<hbm>>
      %dma_start3A_78 = tpu.memref_squeeze %dma_start3A_77 : memref<1x125x80xi32, #tpu.memory_space<hbm>> -> memref<125x80xi32, #tpu.memory_space<hbm>>
      %dma_start3A_79 = arith.constant 0 : i32
      %dma_start3A_80 = arith.constant 0 : i32
      %dma_start3A_81 = tpu.memref_slice %arg4[%add3A, %dma_start3A_79, %dma_start3A_80] : memref<32x125x80xi32, #tpu.memory_space<hbm>> -> memref<1x125x80xi32, #tpu.memory_space<hbm>>
      %dma_start3A_82 = tpu.memref_squeeze %dma_start3A_81 : memref<1x125x80xi32, #tpu.memory_space<hbm>> -> memref<125x80xi32, #tpu.memory_space<hbm>>
      tpu.enqueue_dma source(%dma_start3A_82 : memref<125x80xi32, #tpu.memory_space<hbm>>) target(%arg7 : memref<125x80xi32, #tpu.memory_space<vmem>>) target_semaphore(%run_scoped3A_74 : memref<!tpu.dma_semaphore, #tpu.memory_space<semaphore_mem>>)
      %dma_wait3A_83 = arith.constant 0 : i32
      %dma_wait3A_84 = arith.constant 0 : i32
      %dma_wait3A_85 = tpu.memref_slice %arg4[%add3A, %dma_wait3A_83, %dma_wait3A_84] : memref<32x125x80xi32, #tpu.memory_space<hbm>> -> memref<1x125x80xi32, #tpu.memory_space<hbm>>
      %dma_wait3A_86 = tpu.memref_squeeze %dma_wait3A_85 : memref<1x125x80xi32, #tpu.memory_space<hbm>> -> memref<125x80xi32, #tpu.memory_space<hbm>>
      %dma_wait3A_87 = arith.constant 0 : i32
      %dma_wait3A_88 = arith.constant 0 : i32
      %dma_wait3A_89 = tpu.memref_slice %arg4[%add3A, %dma_wait3A_87, %dma_wait3A_88] : memref<32x125x80xi32, #tpu.memory_space<hbm>> -> memref<1x125x80xi32, #tpu.memory_space<hbm>>
      %dma_wait3A_90 = tpu.memref_squeeze %dma_wait3A_89 : memref<1x125x80xi32, #tpu.memory_space<hbm>> -> memref<125x80xi32, #tpu.memory_space<hbm>>
      tpu.wait_dma2 semaphore(%run_scoped3A_74 : memref<!tpu.dma_semaphore, #tpu.memory_space<semaphore_mem>>) src(%dma_wait3A_90 : memref<125x80xi32, #tpu.memory_space<hbm>>) dst(%arg7 : memref<125x80xi32, #tpu.memory_space<vmem>>)
      tpu.yield
    }) : () -> ()
    "tpu.region"() ({
      %run_scoped3A_74 = tpu.sem_alloc : memref<!tpu.dma_semaphore, #tpu.memory_space<semaphore_mem>>
      %dma_start3A_75 = arith.constant 0 : i32
      %dma_start3A_76 = arith.constant 0 : i32
      %dma_start3A_77 = tpu.memref_slice %arg5[%add3A, %dma_start3A_75, %dma_start3A_76] : memref<32x125x80xi32, #tpu.memory_space<hbm>> -> memref<1x125x80xi32, #tpu.memory_space<hbm>>
      %dma_start3A_78 = tpu.memref_squeeze %dma_start3A_77 : memref<1x125x80xi32, #tpu.memory_space<hbm>> -> memref<125x80xi32, #tpu.memory_space<hbm>>
      %dma_start3A_79 = arith.constant 0 : i32
      %dma_start3A_80 = arith.constant 0 : i32
      %dma_start3A_81 = tpu.memref_slice %arg5[%add3A, %dma_start3A_79, %dma_start3A_80] : memref<32x125x80xi32, #tpu.memory_space<hbm>> -> memref<1x125x80xi32, #tpu.memory_space<hbm>>
      %dma_start3A_82 = tpu.memref_squeeze %dma_start3A_81 : memref<1x125x80xi32, #tpu.memory_space<hbm>> -> memref<125x80xi32, #tpu.memory_space<hbm>>
      tpu.enqueue_dma source(%dma_start3A_82 : memref<125x80xi32, #tpu.memory_space<hbm>>) target(%arg8 : memref<125x80xi32, #tpu.memory_space<vmem>>) target_semaphore(%run_scoped3A_74 : memref<!tpu.dma_semaphore, #tpu.memory_space<semaphore_mem>>)
      %dma_wait3A_83 = arith.constant 0 : i32
      %dma_wait3A_84 = arith.constant 0 : i32
      %dma_wait3A_85 = tpu.memref_slice %arg5[%add3A, %dma_wait3A_83, %dma_wait3A_84] : memref<32x125x80xi32, #tpu.memory_space<hbm>> -> memref<1x125x80xi32, #tpu.memory_space<hbm>>
      %dma_wait3A_86 = tpu.memref_squeeze %dma_wait3A_85 : memref<1x125x80xi32, #tpu.memory_space<hbm>> -> memref<125x80xi32, #tpu.memory_space<hbm>>
      %dma_wait3A_87 = arith.constant 0 : i32
      %dma_wait3A_88 = arith.constant 0 : i32
      %dma_wait3A_89 = tpu.memref_slice %arg5[%add3A, %dma_wait3A_87, %dma_wait3A_88] : memref<32x125x80xi32, #tpu.memory_space<hbm>> -> memref<1x125x80xi32, #tpu.memory_space<hbm>>
      %dma_wait3A_90 = tpu.memref_squeeze %dma_wait3A_89 : memref<1x125x80xi32, #tpu.memory_space<hbm>> -> memref<125x80xi32, #tpu.memory_space<hbm>>
      tpu.wait_dma2 semaphore(%run_scoped3A_74 : memref<!tpu.dma_semaphore, #tpu.memory_space<semaphore_mem>>) src(%dma_wait3A_90 : memref<125x80xi32, #tpu.memory_space<hbm>>) dst(%arg8 : memref<125x80xi32, #tpu.memory_space<vmem>>)
      tpu.yield
    }) : () -> ()
    %dma_start3A = arith.constant 0 : i32
    %dma_start3A_3 = arith.constant 0 : i32
    %dma_start3A_4 = arith.constant 0 : i32
    %dma_start3A_5 = arith.constant 0 : i32
    %dma_start3A_6 = arith.constant 0 : i32
    %dma_start3A_7 = tpu.memref_slice %arg9[%dma_start3A_3, %dma_start3A_5, %dma_start3A_6] : memref<2x80x128xf32, #tpu.memory_space<vmem>> -> memref<1x80x128xf32, #tpu.memory_space<vmem>>
    %dma_start3A_8 = tpu.memref_squeeze %dma_start3A_7 : memref<1x80x128xf32, #tpu.memory_space<vmem>> -> memref<80x128xf32, #tpu.memory_space<vmem>>
    %dma_start3A_9 = arith.constant 0 : i32
    %dma_start3A_10 = tpu.memref_slice %arg7[%dma_start3A, %dma_start3A_9] : memref<125x80xi32, #tpu.memory_space<vmem>> -> memref<1x80xi32, #tpu.memory_space<vmem>>
    %dma_start3A_11 = tpu.memref_squeeze %dma_start3A_10 : memref<1x80xi32, #tpu.memory_space<vmem>> -> memref<80xi32, #tpu.memory_space<vmem>>
    %dma_start3A_12 = arith.constant 0 : i32
    %dma_start3A_13 = arith.constant 0 : i32
    %dma_start3A_14 = tpu.memref_slice %arg2[%dma_start3A_12, %dma_start3A_13] : memref<10000x128xf32, #tpu.memory_space<hbm>> -> memref<10000x128xf32, #tpu.memory_space<hbm>>
    %dma_start3A_15 = tpu.memref_slice %arg11[%dma_start3A_4] : memref<2x!tpu.dma_semaphore, #tpu.memory_space<semaphore_mem>> -> memref<1x!tpu.dma_semaphore, #tpu.memory_space<semaphore_mem>>
    %dma_start3A_16 = tpu.memref_squeeze %dma_start3A_15 : memref<1x!tpu.dma_semaphore, #tpu.memory_space<semaphore_mem>> -> memref<!tpu.dma_semaphore, #tpu.memory_space<semaphore_mem>>
    tpu.enqueue_indirect_dma source(%dma_start3A_14 : memref<10000x128xf32, #tpu.memory_space<hbm>>) target(%dma_start3A_8 : memref<80x128xf32, #tpu.memory_space<vmem>>) offsets(%dma_start3A_11 : memref<80xi32, #tpu.memory_space<vmem>>) semaphore(%dma_start3A_16 : memref<!tpu.dma_semaphore, #tpu.memory_space<semaphore_mem>>)
    %dma_start3A_17 = arith.constant 0 : i32
    %dma_start3A_18 = arith.constant 0 : i32
    %dma_start3A_19 = arith.constant 0 : i32
    %dma_start3A_20 = arith.constant 0 : i32
    %dma_start3A_21 = arith.constant 0 : i32
    %dma_start3A_22 = tpu.memref_slice %arg10[%dma_start3A_18, %dma_start3A_20, %dma_start3A_21] : memref<2x80x128xf32, #tpu.memory_space<vmem>> -> memref<1x80x128xf32, #tpu.memory_space<vmem>>
    %dma_start3A_23 = tpu.memref_squeeze %dma_start3A_22 : memref<1x80x128xf32, #tpu.memory_space<vmem>> -> memref<80x128xf32, #tpu.memory_space<vmem>>
    %dma_start3A_24 = arith.constant 0 : i32
    %dma_start3A_25 = tpu.memref_slice %arg8[%dma_start3A_17, %dma_start3A_24] : memref<125x80xi32, #tpu.memory_space<vmem>> -> memref<1x80xi32, #tpu.memory_space<vmem>>
    %dma_start3A_26 = tpu.memref_squeeze %dma_start3A_25 : memref<1x80xi32, #tpu.memory_space<vmem>> -> memref<80xi32, #tpu.memory_space<vmem>>
    %dma_start3A_27 = arith.constant 0 : i32
    %dma_start3A_28 = arith.constant 0 : i32
    %dma_start3A_29 = tpu.memref_slice %arg3[%dma_start3A_27, %dma_start3A_28] : memref<10000x128xf32, #tpu.memory_space<hbm>> -> memref<10000x128xf32, #tpu.memory_space<hbm>>
    %dma_start3A_30 = tpu.memref_slice %arg12[%dma_start3A_19] : memref<2x!tpu.dma_semaphore, #tpu.memory_space<semaphore_mem>> -> memref<1x!tpu.dma_semaphore, #tpu.memory_space<semaphore_mem>>
    %dma_start3A_31 = tpu.memref_squeeze %dma_start3A_30 : memref<1x!tpu.dma_semaphore, #tpu.memory_space<semaphore_mem>> -> memref<!tpu.dma_semaphore, #tpu.memory_space<semaphore_mem>>
    tpu.enqueue_indirect_dma source(%dma_start3A_29 : memref<10000x128xf32, #tpu.memory_space<hbm>>) target(%dma_start3A_23 : memref<80x128xf32, #tpu.memory_space<vmem>>) offsets(%dma_start3A_26 : memref<80xi32, #tpu.memory_space<vmem>>) semaphore(%dma_start3A_31 : memref<!tpu.dma_semaphore, #tpu.memory_space<semaphore_mem>>)
    %scan3A = arith.constant 0 : i32
    %scan3A_32 = arith.constant 0 : i32
    %scan3A_33 = arith.constant 62 : i32
    %scan3A_34 = arith.addi %scan3A_32, %scan3A_33 : i32
    %scan3A_35 = arith.constant 1 : i32
    scf.for %scan3A_74 = %scan3A_32 to %scan3A_34 step %scan3A_35  : i32 {
      %mul3A_75 = arith.constant 2 : i32
      %mul3A_76 = arith.muli %mul3A_75, %scan3A_74 : i32
      %dma_wait3A_77 = arith.constant 0 : i32
      %dma_wait3A_78 = arith.constant 0 : i32
      %dma_wait3A_79 = arith.constant 0 : i32
      %dma_wait3A_80 = arith.constant 0 : i32
      %dma_wait3A_81 = tpu.memref_slice %arg9[%dma_wait3A_77, %dma_wait3A_79, %dma_wait3A_80] : memref<2x80x128xf32, #tpu.memory_space<vmem>> -> memref<1x80x128xf32, #tpu.memory_space<vmem>>
      %dma_wait3A_82 = tpu.memref_squeeze %dma_wait3A_81 : memref<1x80x128xf32, #tpu.memory_space<vmem>> -> memref<80x128xf32, #tpu.memory_space<vmem>>
      %dma_wait3A_83 = arith.constant 0 : i32
      %dma_wait3A_84 = tpu.memref_slice %arg7[%mul3A_76, %dma_wait3A_83] : memref<125x80xi32, #tpu.memory_space<vmem>> -> memref<1x80xi32, #tpu.memory_space<vmem>>
      %dma_wait3A_85 = tpu.memref_squeeze %dma_wait3A_84 : memref<1x80xi32, #tpu.memory_space<vmem>> -> memref<80xi32, #tpu.memory_space<vmem>>
      %dma_wait3A_86 = arith.constant 0 : i32
      %dma_wait3A_87 = arith.constant 0 : i32
      %dma_wait3A_88 = tpu.memref_slice %arg2[%dma_wait3A_86, %dma_wait3A_87] : memref<10000x128xf32, #tpu.memory_space<hbm>> -> memref<10000x128xf32, #tpu.memory_space<hbm>>
      %dma_wait3A_89 = tpu.memref_slice %arg11[%dma_wait3A_78] : memref<2x!tpu.dma_semaphore, #tpu.memory_space<semaphore_mem>> -> memref<1x!tpu.dma_semaphore, #tpu.memory_space<semaphore_mem>>
      %dma_wait3A_90 = tpu.memref_squeeze %dma_wait3A_89 : memref<1x!tpu.dma_semaphore, #tpu.memory_space<semaphore_mem>> -> memref<!tpu.dma_semaphore, #tpu.memory_space<semaphore_mem>>
      tpu.wait_indirect_dma semaphore(%dma_wait3A_90 : memref<!tpu.dma_semaphore, #tpu.memory_space<semaphore_mem>>) src(%dma_wait3A_88 : memref<10000x128xf32, #tpu.memory_space<hbm>>) dst(%dma_wait3A_82 : memref<80x128xf32, #tpu.memory_space<vmem>>)
      %dma_wait3A_91 = arith.constant 0 : i32
      %dma_wait3A_92 = arith.constant 0 : i32
      %dma_wait3A_93 = arith.constant 0 : i32
      %dma_wait3A_94 = arith.constant 0 : i32
      %dma_wait3A_95 = tpu.memref_slice %arg10[%dma_wait3A_91, %dma_wait3A_93, %dma_wait3A_94] : memref<2x80x128xf32, #tpu.memory_space<vmem>> -> memref<1x80x128xf32, #tpu.memory_space<vmem>>
      %dma_wait3A_96 = tpu.memref_squeeze %dma_wait3A_95 : memref<1x80x128xf32, #tpu.memory_space<vmem>> -> memref<80x128xf32, #tpu.memory_space<vmem>>
      %dma_wait3A_97 = arith.constant 0 : i32
      %dma_wait3A_98 = tpu.memref_slice %arg8[%mul3A_76, %dma_wait3A_97] : memref<125x80xi32, #tpu.memory_space<vmem>> -> memref<1x80xi32, #tpu.memory_space<vmem>>
      %dma_wait3A_99 = tpu.memref_squeeze %dma_wait3A_98 : memref<1x80xi32, #tpu.memory_space<vmem>> -> memref<80xi32, #tpu.memory_space<vmem>>
      %dma_wait3A_100 = arith.constant 0 : i32
      %dma_wait3A_101 = arith.constant 0 : i32
      %dma_wait3A_102 = tpu.memref_slice %arg3[%dma_wait3A_100, %dma_wait3A_101] : memref<10000x128xf32, #tpu.memory_space<hbm>> -> memref<10000x128xf32, #tpu.memory_space<hbm>>
      %dma_wait3A_103 = tpu.memref_slice %arg12[%dma_wait3A_92] : memref<2x!tpu.dma_semaphore, #tpu.memory_space<semaphore_mem>> -> memref<1x!tpu.dma_semaphore, #tpu.memory_space<semaphore_mem>>
      %dma_wait3A_104 = tpu.memref_squeeze %dma_wait3A_103 : memref<1x!tpu.dma_semaphore, #tpu.memory_space<semaphore_mem>> -> memref<!tpu.dma_semaphore, #tpu.memory_space<semaphore_mem>>
      tpu.wait_indirect_dma semaphore(%dma_wait3A_104 : memref<!tpu.dma_semaphore, #tpu.memory_space<semaphore_mem>>) src(%dma_wait3A_102 : memref<10000x128xf32, #tpu.memory_space<hbm>>) dst(%dma_wait3A_96 : memref<80x128xf32, #tpu.memory_space<vmem>>)
      %add3A_105 = arith.constant 1 : i32
      %add3A_106 = arith.addi %mul3A_76, %add3A_105 : i32
      %dma_start3A_107 = arith.constant 1 : i32
      %dma_start3A_108 = arith.constant 1 : i32
      %dma_start3A_109 = arith.constant 0 : i32
      %dma_start3A_110 = arith.constant 0 : i32
      %dma_start3A_111 = tpu.memref_slice %arg9[%dma_start3A_107, %dma_start3A_109, %dma_start3A_110] : memref<2x80x128xf32, #tpu.memory_space<vmem>> -> memref<1x80x128xf32, #tpu.memory_space<vmem>>
      %dma_start3A_112 = tpu.memref_squeeze %dma_start3A_111 : memref<1x80x128xf32, #tpu.memory_space<vmem>> -> memref<80x128xf32, #tpu.memory_space<vmem>>
      %dma_start3A_113 = arith.constant 0 : i32
      %dma_start3A_114 = tpu.memref_slice %arg7[%add3A_106, %dma_start3A_113] : memref<125x80xi32, #tpu.memory_space<vmem>> -> memref<1x80xi32, #tpu.memory_space<vmem>>
      %dma_start3A_115 = tpu.memref_squeeze %dma_start3A_114 : memref<1x80xi32, #tpu.memory_space<vmem>> -> memref<80xi32, #tpu.memory_space<vmem>>
      %dma_start3A_116 = arith.constant 0 : i32
      %dma_start3A_117 = arith.constant 0 : i32
      %dma_start3A_118 = tpu.memref_slice %arg2[%dma_start3A_116, %dma_start3A_117] : memref<10000x128xf32, #tpu.memory_space<hbm>> -> memref<10000x128xf32, #tpu.memory_space<hbm>>
      %dma_start3A_119 = tpu.memref_slice %arg11[%dma_start3A_108] : memref<2x!tpu.dma_semaphore, #tpu.memory_space<semaphore_mem>> -> memref<1x!tpu.dma_semaphore, #tpu.memory_space<semaphore_mem>>
      %dma_start3A_120 = tpu.memref_squeeze %dma_start3A_119 : memref<1x!tpu.dma_semaphore, #tpu.memory_space<semaphore_mem>> -> memref<!tpu.dma_semaphore, #tpu.memory_space<semaphore_mem>>
      tpu.enqueue_indirect_dma source(%dma_start3A_118 : memref<10000x128xf32, #tpu.memory_space<hbm>>) target(%dma_start3A_112 : memref<80x128xf32, #tpu.memory_space<vmem>>) offsets(%dma_start3A_115 : memref<80xi32, #tpu.memory_space<vmem>>) semaphore(%dma_start3A_120 : memref<!tpu.dma_semaphore, #tpu.memory_space<semaphore_mem>>)
      %dma_start3A_121 = arith.constant 1 : i32
      %dma_start3A_122 = arith.constant 1 : i32
      %dma_start3A_123 = arith.constant 0 : i32
      %dma_start3A_124 = arith.constant 0 : i32
      %dma_start3A_125 = tpu.memref_slice %arg10[%dma_start3A_121, %dma_start3A_123, %dma_start3A_124] : memref<2x80x128xf32, #tpu.memory_space<vmem>> -> memref<1x80x128xf32, #tpu.memory_space<vmem>>
      %dma_start3A_126 = tpu.memref_squeeze %dma_start3A_125 : memref<1x80x128xf32, #tpu.memory_space<vmem>> -> memref<80x128xf32, #tpu.memory_space<vmem>>
      %dma_start3A_127 = arith.constant 0 : i32
      %dma_start3A_128 = tpu.memref_slice %arg8[%add3A_106, %dma_start3A_127] : memref<125x80xi32, #tpu.memory_space<vmem>> -> memref<1x80xi32, #tpu.memory_space<vmem>>
      %dma_start3A_129 = tpu.memref_squeeze %dma_start3A_128 : memref<1x80xi32, #tpu.memory_space<vmem>> -> memref<80xi32, #tpu.memory_space<vmem>>
      %dma_start3A_130 = arith.constant 0 : i32
      %dma_start3A_131 = arith.constant 0 : i32
      %dma_start3A_132 = tpu.memref_slice %arg3[%dma_start3A_130, %dma_start3A_131] : memref<10000x128xf32, #tpu.memory_space<hbm>> -> memref<10000x128xf32, #tpu.memory_space<hbm>>
      %dma_start3A_133 = tpu.memref_slice %arg12[%dma_start3A_122] : memref<2x!tpu.dma_semaphore, #tpu.memory_space<semaphore_mem>> -> memref<1x!tpu.dma_semaphore, #tpu.memory_space<semaphore_mem>>
      %dma_start3A_134 = tpu.memref_squeeze %dma_start3A_133 : memref<1x!tpu.dma_semaphore, #tpu.memory_space<semaphore_mem>> -> memref<!tpu.dma_semaphore, #tpu.memory_space<semaphore_mem>>
      tpu.enqueue_indirect_dma source(%dma_start3A_132 : memref<10000x128xf32, #tpu.memory_space<hbm>>) target(%dma_start3A_126 : memref<80x128xf32, #tpu.memory_space<vmem>>) offsets(%dma_start3A_129 : memref<80xi32, #tpu.memory_space<vmem>>) semaphore(%dma_start3A_134 : memref<!tpu.dma_semaphore, #tpu.memory_space<semaphore_mem>>)
      %scan3A_135 = arith.constant 0 : i32
      %scan3A_136 = arith.constant 0 : i32
      %scan3A_137 = arith.constant 80 : i32
      %scan3A_138 = arith.addi %scan3A_136, %scan3A_137 : i32
      %scan3A_139 = arith.constant 1 : i32
      scf.for %scan3A_217 = %scan3A_136 to %scan3A_138 step %scan3A_139  : i32 {
        %get3A = arith.constant 0 : i32
        %get3A_218 = arith.index_cast %get3A : i32 to index
        %get3A_219 = arith.index_cast %scan3A_217 : i32 to index
        %get3A_220 = arith.constant 0 : index
        %get3A_221 = tpu.vector_load %arg9[%get3A_218, %get3A_219, %get3A_220] {strides = array<i32>} : memref<2x80x128xf32, #tpu.memory_space<vmem>>, vector<1x1x16xf32>,
        %get3A_222 = vector.shape_cast %get3A_221 : vector<1x1x16xf32> to vector<16xf32>
        %get3A_223 = arith.constant 0 : i32
        %get3A_224 = arith.index_cast %get3A_223 : i32 to index
        %get3A_225 = arith.index_cast %scan3A_217 : i32 to index
        %get3A_226 = arith.constant 0 : index
        %get3A_227 = tpu.vector_load %arg10[%get3A_224, %get3A_225, %get3A_226] {strides = array<i32>} : memref<2x80x128xf32, #tpu.memory_space<vmem>>, vector<1x1x16xf32>,
        %get3A_228 = vector.shape_cast %get3A_227 : vector<1x1x16xf32> to vector<16xf32>
        %add3A_229 = arith.addf %get3A_222, %get3A_228 : vector<16xf32>
        %swap3A = arith.constant 0 : i32
        %swap3A_230 = arith.index_cast %swap3A : i32 to index
        %swap3A_231 = arith.index_cast %scan3A_217 : i32 to index
        %swap3A_232 = arith.constant 0 : index
        %swap3A_233 = tpu.vector_load %arg9[%swap3A_230, %swap3A_231, %swap3A_232] {strides = array<i32>} : memref<2x80x128xf32, #tpu.memory_space<vmem>>, vector<1x1x16xf32>,
        %swap3A_234 = vector.shape_cast %swap3A_233 : vector<1x1x16xf32> to vector<16xf32>
        %swap3A_235 = vector.shape_cast %add3A_229 : vector<16xf32> to vector<1x1x16xf32>
        tpu.vector_store %arg9[%swap3A_230, %swap3A_231, %swap3A_232], %swap3A_235 {strides = array<i32>} : memref<2x80x128xf32, #tpu.memory_space<vmem>>, vector<1x1x16xf32>,
        %get3A_236 = arith.constant 0 : i32
        %get3A_237 = arith.index_cast %get3A_236 : i32 to index
        %get3A_238 = arith.index_cast %scan3A_217 : i32 to index
        %get3A_239 = arith.constant 16 : index
        %get3A_240 = tpu.vector_load %arg9[%get3A_237, %get3A_238, %get3A_239] {strides = array<i32>} : memref<2x80x128xf32, #tpu.memory_space<vmem>>, vector<1x1x16xf32>,
        %get3A_241 = vector.shape_cast %get3A_240 : vector<1x1x16xf32> to vector<16xf32>
        %get3A_242 = arith.constant 0 : i32
        %get3A_243 = arith.index_cast %get3A_242 : i32 to index
        %get3A_244 = arith.index_cast %scan3A_217 : i32 to index
        %get3A_245 = arith.constant 16 : index
        %get3A_246 = tpu.vector_load %arg10[%get3A_243, %get3A_244, %get3A_245] {strides = array<i32>} : memref<2x80x128xf32, #tpu.memory_space<vmem>>, vector<1x1x16xf32>,
        %get3A_247 = vector.shape_cast %get3A_246 : vector<1x1x16xf32> to vector<16xf32>
        %add3A_248 = arith.addf %get3A_241, %get3A_247 : vector<16xf32>
        %swap3A_249 = arith.constant 0 : i32
        %swap3A_250 = arith.index_cast %swap3A_249 : i32 to index
        %swap3A_251 = arith.index_cast %scan3A_217 : i32 to index
        %swap3A_252 = arith.constant 16 : index
        %swap3A_253 = tpu.vector_load %arg9[%swap3A_250, %swap3A_251, %swap3A_252] {strides = array<i32>} : memref<2x80x128xf32, #tpu.memory_space<vmem>>, vector<1x1x16xf32>,
        %swap3A_254 = vector.shape_cast %swap3A_253 : vector<1x1x16xf32> to vector<16xf32>
        %swap3A_255 = vector.shape_cast %add3A_248 : vector<16xf32> to vector<1x1x16xf32>
        tpu.vector_store %arg9[%swap3A_250, %swap3A_251, %swap3A_252], %swap3A_255 {strides = array<i32>} : memref<2x80x128xf32, #tpu.memory_space<vmem>>, vector<1x1x16xf32>,
        %get3A_256 = arith.constant 0 : i32
        %get3A_257 = arith.index_cast %get3A_256 : i32 to index
        %get3A_258 = arith.index_cast %scan3A_217 : i32 to index
        %get3A_259 = arith.constant 32 : index
        %get3A_260 = tpu.vector_load %arg9[%get3A_257, %get3A_258, %get3A_259] {strides = array<i32>} : memref<2x80x128xf32, #tpu.memory_space<vmem>>, vector<1x1x16xf32>,
        %get3A_261 = vector.shape_cast %get3A_260 : vector<1x1x16xf32> to vector<16xf32>
        %get3A_262 = arith.constant 0 : i32
        %get3A_263 = arith.index_cast %get3A_262 : i32 to index
        %get3A_264 = arith.index_cast %scan3A_217 : i32 to index
        %get3A_265 = arith.constant 32 : index
        %get3A_266 = tpu.vector_load %arg10[%get3A_263, %get3A_264, %get3A_265] {strides = array<i32>} : memref<2x80x128xf32, #tpu.memory_space<vmem>>, vector<1x1x16xf32>,
        %get3A_267 = vector.shape_cast %get3A_266 : vector<1x1x16xf32> to vector<16xf32>
        %add3A_268 = arith.addf %get3A_261, %get3A_267 : vector<16xf32>
        %swap3A_269 = arith.constant 0 : i32
        %swap3A_270 = arith.index_cast %swap3A_269 : i32 to index
        %swap3A_271 = arith.index_cast %scan3A_217 : i32 to index
        %swap3A_272 = arith.constant 32 : index
        %swap3A_273 = tpu.vector_load %arg9[%swap3A_270, %swap3A_271, %swap3A_272] {strides = array<i32>} : memref<2x80x128xf32, #tpu.memory_space<vmem>>, vector<1x1x16xf32>,
        %swap3A_274 = vector.shape_cast %swap3A_273 : vector<1x1x16xf32> to vector<16xf32>
        %swap3A_275 = vector.shape_cast %add3A_268 : vector<16xf32> to vector<1x1x16xf32>
        tpu.vector_store %arg9[%swap3A_270, %swap3A_271, %swap3A_272], %swap3A_275 {strides = array<i32>} : memref<2x80x128xf32, #tpu.memory_space<vmem>>, vector<1x1x16xf32>,
        %get3A_276 = arith.constant 0 : i32
        %get3A_277 = arith.index_cast %get3A_276 : i32 to index
        %get3A_278 = arith.index_cast %scan3A_217 : i32 to index
        %get3A_279 = arith.constant 48 : index
        %get3A_280 = tpu.vector_load %arg9[%get3A_277, %get3A_278, %get3A_279] {strides = array<i32>} : memref<2x80x128xf32, #tpu.memory_space<vmem>>, vector<1x1x16xf32>,
        %get3A_281 = vector.shape_cast %get3A_280 : vector<1x1x16xf32> to vector<16xf32>
        %get3A_282 = arith.constant 0 : i32
        %get3A_283 = arith.index_cast %get3A_282 : i32 to index
        %get3A_284 = arith.index_cast %scan3A_217 : i32 to index
        %get3A_285 = arith.constant 48 : index
        %get3A_286 = tpu.vector_load %arg10[%get3A_283, %get3A_284, %get3A_285] {strides = array<i32>} : memref<2x80x128xf32, #tpu.memory_space<vmem>>, vector<1x1x16xf32>,
        %get3A_287 = vector.shape_cast %get3A_286 : vector<1x1x16xf32> to vector<16xf32>
        %add3A_288 = arith.addf %get3A_281, %get3A_287 : vector<16xf32>
        %swap3A_289 = arith.constant 0 : i32
        %swap3A_290 = arith.index_cast %swap3A_289 : i32 to index
        %swap3A_291 = arith.index_cast %scan3A_217 : i32 to index
        %swap3A_292 = arith.constant 48 : index
        %swap3A_293 = tpu.vector_load %arg9[%swap3A_290, %swap3A_291, %swap3A_292] {strides = array<i32>} : memref<2x80x128xf32, #tpu.memory_space<vmem>>, vector<1x1x16xf32>,
        %swap3A_294 = vector.shape_cast %swap3A_293 : vector<1x1x16xf32> to vector<16xf32>
        %swap3A_295 = vector.shape_cast %add3A_288 : vector<16xf32> to vector<1x1x16xf32>
        tpu.vector_store %arg9[%swap3A_290, %swap3A_291, %swap3A_292], %swap3A_295 {strides = array<i32>} : memref<2x80x128xf32, #tpu.memory_space<vmem>>, vector<1x1x16xf32>,
        %get3A_296 = arith.constant 0 : i32
        %get3A_297 = arith.index_cast %get3A_296 : i32 to index
        %get3A_298 = arith.index_cast %scan3A_217 : i32 to index
        %get3A_299 = arith.constant 64 : index
        %get3A_300 = tpu.vector_load %arg9[%get3A_297, %get3A_298, %get3A_299] {strides = array<i32>} : memref<2x80x128xf32, #tpu.memory_space<vmem>>, vector<1x1x16xf32>,
        %get3A_301 = vector.shape_cast %get3A_300 : vector<1x1x16xf32> to vector<16xf32>
        %get3A_302 = arith.constant 0 : i32
        %get3A_303 = arith.index_cast %get3A_302 : i32 to index
        %get3A_304 = arith.index_cast %scan3A_217 : i32 to index
        %get3A_305 = arith.constant 64 : index
        %get3A_306 = tpu.vector_load %arg10[%get3A_303, %get3A_304, %get3A_305] {strides = array<i32>} : memref<2x80x128xf32, #tpu.memory_space<vmem>>, vector<1x1x16xf32>,
        %get3A_307 = vector.shape_cast %get3A_306 : vector<1x1x16xf32> to vector<16xf32>
        %add3A_308 = arith.addf %get3A_301, %get3A_307 : vector<16xf32>
        %swap3A_309 = arith.constant 0 : i32
        %swap3A_310 = arith.index_cast %swap3A_309 : i32 to index
        %swap3A_311 = arith.index_cast %scan3A_217 : i32 to index
        %swap3A_312 = arith.constant 64 : index
        %swap3A_313 = tpu.vector_load %arg9[%swap3A_310, %swap3A_311, %swap3A_312] {strides = array<i32>} : memref<2x80x128xf32, #tpu.memory_space<vmem>>, vector<1x1x16xf32>,
        %swap3A_314 = vector.shape_cast %swap3A_313 : vector<1x1x16xf32> to vector<16xf32>
        %swap3A_315 = vector.shape_cast %add3A_308 : vector<16xf32> to vector<1x1x16xf32>
        tpu.vector_store %arg9[%swap3A_310, %swap3A_311, %swap3A_312], %swap3A_315 {strides = array<i32>} : memref<2x80x128xf32, #tpu.memory_space<vmem>>, vector<1x1x16xf32>,
        %get3A_316 = arith.constant 0 : i32
        %get3A_317 = arith.index_cast %get3A_316 : i32 to index
        %get3A_318 = arith.index_cast %scan3A_217 : i32 to index
        %get3A_319 = arith.constant 80 : index
        %get3A_320 = tpu.vector_load %arg9[%get3A_317, %get3A_318, %get3A_319] {strides = array<i32>} : memref<2x80x128xf32, #tpu.memory_space<vmem>>, vector<1x1x16xf32>,
        %get3A_321 = vector.shape_cast %get3A_320 : vector<1x1x16xf32> to vector<16xf32>
        %get3A_322 = arith.constant 0 : i32
        %get3A_323 = arith.index_cast %get3A_322 : i32 to index
        %get3A_324 = arith.index_cast %scan3A_217 : i32 to index
        %get3A_325 = arith.constant 80 : index
        %get3A_326 = tpu.vector_load %arg10[%get3A_323, %get3A_324, %get3A_325] {strides = array<i32>} : memref<2x80x128xf32, #tpu.memory_space<vmem>>, vector<1x1x16xf32>,
        %get3A_327 = vector.shape_cast %get3A_326 : vector<1x1x16xf32> to vector<16xf32>
        %add3A_328 = arith.addf %get3A_321, %get3A_327 : vector<16xf32>
        %swap3A_329 = arith.constant 0 : i32
        %swap3A_330 = arith.index_cast %swap3A_329 : i32 to index
        %swap3A_331 = arith.index_cast %scan3A_217 : i32 to index
        %swap3A_332 = arith.constant 80 : index
        %swap3A_333 = tpu.vector_load %arg9[%swap3A_330, %swap3A_331, %swap3A_332] {strides = array<i32>} : memref<2x80x128xf32, #tpu.memory_space<vmem>>, vector<1x1x16xf32>,
        %swap3A_334 = vector.shape_cast %swap3A_333 : vector<1x1x16xf32> to vector<16xf32>
        %swap3A_335 = vector.shape_cast %add3A_328 : vector<16xf32> to vector<1x1x16xf32>
        tpu.vector_store %arg9[%swap3A_330, %swap3A_331, %swap3A_332], %swap3A_335 {strides = array<i32>} : memref<2x80x128xf32, #tpu.memory_space<vmem>>, vector<1x1x16xf32>,
        %get3A_336 = arith.constant 0 : i32
        %get3A_337 = arith.index_cast %get3A_336 : i32 to index
        %get3A_338 = arith.index_cast %scan3A_217 : i32 to index
        %get3A_339 = arith.constant 96 : index
        %get3A_340 = tpu.vector_load %arg9[%get3A_337, %get3A_338, %get3A_339] {strides = array<i32>} : memref<2x80x128xf32, #tpu.memory_space<vmem>>, vector<1x1x16xf32>,
        %get3A_341 = vector.shape_cast %get3A_340 : vector<1x1x16xf32> to vector<16xf32>
        %get3A_342 = arith.constant 0 : i32
        %get3A_343 = arith.index_cast %get3A_342 : i32 to index
        %get3A_344 = arith.index_cast %scan3A_217 : i32 to index
        %get3A_345 = arith.constant 96 : index
        %get3A_346 = tpu.vector_load %arg10[%get3A_343, %get3A_344, %get3A_345] {strides = array<i32>} : memref<2x80x128xf32, #tpu.memory_space<vmem>>, vector<1x1x16xf32>,
        %get3A_347 = vector.shape_cast %get3A_346 : vector<1x1x16xf32> to vector<16xf32>
        %add3A_348 = arith.addf %get3A_341, %get3A_347 : vector<16xf32>
        %swap3A_349 = arith.constant 0 : i32
        %swap3A_350 = arith.index_cast %swap3A_349 : i32 to index
        %swap3A_351 = arith.index_cast %scan3A_217 : i32 to index
        %swap3A_352 = arith.constant 96 : index
        %swap3A_353 = tpu.vector_load %arg9[%swap3A_350, %swap3A_351, %swap3A_352] {strides = array<i32>} : memref<2x80x128xf32, #tpu.memory_space<vmem>>, vector<1x1x16xf32>,
        %swap3A_354 = vector.shape_cast %swap3A_353 : vector<1x1x16xf32> to vector<16xf32>
        %swap3A_355 = vector.shape_cast %add3A_348 : vector<16xf32> to vector<1x1x16xf32>
        tpu.vector_store %arg9[%swap3A_350, %swap3A_351, %swap3A_352], %swap3A_355 {strides = array<i32>} : memref<2x80x128xf32, #tpu.memory_space<vmem>>, vector<1x1x16xf32>,
        %get3A_356 = arith.constant 0 : i32
        %get3A_357 = arith.index_cast %get3A_356 : i32 to index
        %get3A_358 = arith.index_cast %scan3A_217 : i32 to index
        %get3A_359 = arith.constant 112 : index
        %get3A_360 = tpu.vector_load %arg9[%get3A_357, %get3A_358, %get3A_359] {strides = array<i32>} : memref<2x80x128xf32, #tpu.memory_space<vmem>>, vector<1x1x16xf32>,
        %get3A_361 = vector.shape_cast %get3A_360 : vector<1x1x16xf32> to vector<16xf32>
        %get3A_362 = arith.constant 0 : i32
        %get3A_363 = arith.index_cast %get3A_362 : i32 to index
        %get3A_364 = arith.index_cast %scan3A_217 : i32 to index
        %get3A_365 = arith.constant 112 : index
        %get3A_366 = tpu.vector_load %arg10[%get3A_363, %get3A_364, %get3A_365] {strides = array<i32>} : memref<2x80x128xf32, #tpu.memory_space<vmem>>, vector<1x1x16xf32>,
        %get3A_367 = vector.shape_cast %get3A_366 : vector<1x1x16xf32> to vector<16xf32>
        %add3A_368 = arith.addf %get3A_361, %get3A_367 : vector<16xf32>
        %swap3A_369 = arith.constant 0 : i32
        %swap3A_370 = arith.index_cast %swap3A_369 : i32 to index
        %swap3A_371 = arith.index_cast %scan3A_217 : i32 to index
        %swap3A_372 = arith.constant 112 : index
        %swap3A_373 = tpu.vector_load %arg9[%swap3A_370, %swap3A_371, %swap3A_372] {strides = array<i32>} : memref<2x80x128xf32, #tpu.memory_space<vmem>>, vector<1x1x16xf32>,
        %swap3A_374 = vector.shape_cast %swap3A_373 : vector<1x1x16xf32> to vector<16xf32>
        %swap3A_375 = vector.shape_cast %add3A_368 : vector<16xf32> to vector<1x1x16xf32>
        tpu.vector_store %arg9[%swap3A_370, %swap3A_371, %swap3A_372], %swap3A_375 {strides = array<i32>} : memref<2x80x128xf32, #tpu.memory_space<vmem>>, vector<1x1x16xf32>,
      }
      %scan3A_140 = arith.constant 80 : i32
      %mul3A_141 = arith.constant 80 : i32
      %mul3A_142 = arith.muli %mul3A_76, %mul3A_141 : i32
      %add3A_143 = arith.addi %mul3A_2, %mul3A_142 : i32
      %run_scoped3A_144 = arith.constant 0 : i32
      "tpu.region"() ({
        %run_scoped3A_217 = tpu.sem_alloc : memref<!tpu.dma_semaphore, #tpu.memory_space<semaphore_mem>>
        %dma_start3A_218 = arith.constant 0 : i32
        %dma_start3A_219 = arith.constant 0 : i32
        %dma_start3A_220 = tpu.memref_slice %arg9[%run_scoped3A_144, %dma_start3A_218, %dma_start3A_219] : memref<2x80x128xf32, #tpu.memory_space<vmem>> -> memref<1x80x128xf32, #tpu.memory_space<vmem>>
        %dma_start3A_221 = tpu.memref_squeeze %dma_start3A_220 : memref<1x80x128xf32, #tpu.memory_space<vmem>> -> memref<80x128xf32, #tpu.memory_space<vmem>>
        %dma_start3A_222 = arith.constant 0 : i32
        %dma_start3A_223 = tpu.memref_slice %arg6[%add3A_143, %dma_start3A_222] : memref<320000x128xf32, #tpu.memory_space<hbm>> -> memref<80x128xf32, #tpu.memory_space<hbm>>
        %dma_start3A_224 = arith.constant 0 : i32
        %dma_start3A_225 = tpu.memref_slice %arg6[%add3A_143, %dma_start3A_224] : memref<320000x128xf32, #tpu.memory_space<hbm>> -> memref<80x128xf32, #tpu.memory_space<hbm>>
        %dma_start3A_226 = arith.constant 0 : i32
        %dma_start3A_227 = arith.constant 0 : i32
        %dma_start3A_228 = tpu.memref_slice %arg9[%run_scoped3A_144, %dma_start3A_226, %dma_start3A_227] : memref<2x80x128xf32, #tpu.memory_space<vmem>> -> memref<1x80x128xf32, #tpu.memory_space<vmem>>
        %dma_start3A_229 = tpu.memref_squeeze %dma_start3A_228 : memref<1x80x128xf32, #tpu.memory_space<vmem>> -> memref<80x128xf32, #tpu.memory_space<vmem>>
        tpu.enqueue_dma source(%dma_start3A_229 : memref<80x128xf32, #tpu.memory_space<vmem>>) target(%dma_start3A_225 : memref<80x128xf32, #tpu.memory_space<hbm>>) target_semaphore(%run_scoped3A_217 : memref<!tpu.dma_semaphore, #tpu.memory_space<semaphore_mem>>)
        %dma_wait3A_230 = arith.constant 0 : i32
        %dma_wait3A_231 = arith.constant 0 : i32
        %dma_wait3A_232 = tpu.memref_slice %arg9[%run_scoped3A_144, %dma_wait3A_230, %dma_wait3A_231] : memref<2x80x128xf32, #tpu.memory_space<vmem>> -> memref<1x80x128xf32, #tpu.memory_space<vmem>>
        %dma_wait3A_233 = tpu.memref_squeeze %dma_wait3A_232 : memref<1x80x128xf32, #tpu.memory_space<vmem>> -> memref<80x128xf32, #tpu.memory_space<vmem>>
        %dma_wait3A_234 = arith.constant 0 : i32
        %dma_wait3A_235 = tpu.memref_slice %arg6[%add3A_143, %dma_wait3A_234] : memref<320000x128xf32, #tpu.memory_space<hbm>> -> memref<80x128xf32, #tpu.memory_space<hbm>>
        %dma_wait3A_236 = arith.constant 0 : i32
        %dma_wait3A_237 = tpu.memref_slice %arg6[%add3A_143, %dma_wait3A_236] : memref<320000x128xf32, #tpu.memory_space<hbm>> -> memref<80x128xf32, #tpu.memory_space<hbm>>
        %dma_wait3A_238 = arith.constant 0 : i32
        %dma_wait3A_239 = arith.constant 0 : i32
        %dma_wait3A_240 = tpu.memref_slice %arg9[%run_scoped3A_144, %dma_wait3A_238, %dma_wait3A_239] : memref<2x80x128xf32, #tpu.memory_space<vmem>> -> memref<1x80x128xf32, #tpu.memory_space<vmem>>
        %dma_wait3A_241 = tpu.memref_squeeze %dma_wait3A_240 : memref<1x80x128xf32, #tpu.memory_space<vmem>> -> memref<80x128xf32, #tpu.memory_space<vmem>>
        tpu.wait_dma2 semaphore(%run_scoped3A_217 : memref<!tpu.dma_semaphore, #tpu.memory_space<semaphore_mem>>) src(%dma_wait3A_241 : memref<80x128xf32, #tpu.memory_space<vmem>>) dst(%dma_wait3A_237 : memref<80x128xf32, #tpu.memory_space<hbm>>)
        tpu.yield
      }) : () -> ()
      %add3A_145 = arith.constant 1 : i32
      %add3A_146 = arith.addi %mul3A_76, %add3A_145 : i32
      %dma_wait3A_147 = arith.constant 1 : i32
      %dma_wait3A_148 = arith.constant 1 : i32
      %dma_wait3A_149 = arith.constant 0 : i32
      %dma_wait3A_150 = arith.constant 0 : i32
      %dma_wait3A_151 = tpu.memref_slice %arg9[%dma_wait3A_147, %dma_wait3A_149, %dma_wait3A_150] : memref<2x80x128xf32, #tpu.memory_space<vmem>> -> memref<1x80x128xf32, #tpu.memory_space<vmem>>
      %dma_wait3A_152 = tpu.memref_squeeze %dma_wait3A_151 : memref<1x80x128xf32, #tpu.memory_space<vmem>> -> memref<80x128xf32, #tpu.memory_space<vmem>>
      %dma_wait3A_153 = arith.constant 0 : i32
      %dma_wait3A_154 = tpu.memref_slice %arg7[%add3A_146, %dma_wait3A_153] : memref<125x80xi32, #tpu.memory_space<vmem>> -> memref<1x80xi32, #tpu.memory_space<vmem>>
      %dma_wait3A_155 = tpu.memref_squeeze %dma_wait3A_154 : memref<1x80xi32, #tpu.memory_space<vmem>> -> memref<80xi32, #tpu.memory_space<vmem>>
      %dma_wait3A_156 = arith.constant 0 : i32
      %dma_wait3A_157 = arith.constant 0 : i32
      %dma_wait3A_158 = tpu.memref_slice %arg2[%dma_wait3A_156, %dma_wait3A_157] : memref<10000x128xf32, #tpu.memory_space<hbm>> -> memref<10000x128xf32, #tpu.memory_space<hbm>>
      %dma_wait3A_159 = tpu.memref_slice %arg11[%dma_wait3A_148] : memref<2x!tpu.dma_semaphore, #tpu.memory_space<semaphore_mem>> -> memref<1x!tpu.dma_semaphore, #tpu.memory_space<semaphore_mem>>
      %dma_wait3A_160 = tpu.memref_squeeze %dma_wait3A_159 : memref<1x!tpu.dma_semaphore, #tpu.memory_space<semaphore_mem>> -> memref<!tpu.dma_semaphore, #tpu.memory_space<semaphore_mem>>
      tpu.wait_indirect_dma semaphore(%dma_wait3A_160 : memref<!tpu.dma_semaphore, #tpu.memory_space<semaphore_mem>>) src(%dma_wait3A_158 : memref<10000x128xf32, #tpu.memory_space<hbm>>) dst(%dma_wait3A_152 : memref<80x128xf32, #tpu.memory_space<vmem>>)
      %dma_wait3A_161 = arith.constant 1 : i32
      %dma_wait3A_162 = arith.constant 1 : i32
      %dma_wait3A_163 = arith.constant 0 : i32
      %dma_wait3A_164 = arith.constant 0 : i32
      %dma_wait3A_165 = tpu.memref_slice %arg10[%dma_wait3A_161, %dma_wait3A_163, %dma_wait3A_164] : memref<2x80x128xf32, #tpu.memory_space<vmem>> -> memref<1x80x128xf32, #tpu.memory_space<vmem>>
      %dma_wait3A_166 = tpu.memref_squeeze %dma_wait3A_165 : memref<1x80x128xf32, #tpu.memory_space<vmem>> -> memref<80x128xf32, #tpu.memory_space<vmem>>
      %dma_wait3A_167 = arith.constant 0 : i32
      %dma_wait3A_168 = tpu.memref_slice %arg8[%add3A_146, %dma_wait3A_167] : memref<125x80xi32, #tpu.memory_space<vmem>> -> memref<1x80xi32, #tpu.memory_space<vmem>>
      %dma_wait3A_169 = tpu.memref_squeeze %dma_wait3A_168 : memref<1x80xi32, #tpu.memory_space<vmem>> -> memref<80xi32, #tpu.memory_space<vmem>>
      %dma_wait3A_170 = arith.constant 0 : i32
      %dma_wait3A_171 = arith.constant 0 : i32
      %dma_wait3A_172 = tpu.memref_slice %arg3[%dma_wait3A_170, %dma_wait3A_171] : memref<10000x128xf32, #tpu.memory_space<hbm>> -> memref<10000x128xf32, #tpu.memory_space<hbm>>
      %dma_wait3A_173 = tpu.memref_slice %arg12[%dma_wait3A_162] : memref<2x!tpu.dma_semaphore, #tpu.memory_space<semaphore_mem>> -> memref<1x!tpu.dma_semaphore, #tpu.memory_space<semaphore_mem>>
      %dma_wait3A_174 = tpu.memref_squeeze %dma_wait3A_173 : memref<1x!tpu.dma_semaphore, #tpu.memory_space<semaphore_mem>> -> memref<!tpu.dma_semaphore, #tpu.memory_space<semaphore_mem>>
      tpu.wait_indirect_dma semaphore(%dma_wait3A_174 : memref<!tpu.dma_semaphore, #tpu.memory_space<semaphore_mem>>) src(%dma_wait3A_172 : memref<10000x128xf32, #tpu.memory_space<hbm>>) dst(%dma_wait3A_166 : memref<80x128xf32, #tpu.memory_space<vmem>>)
      %add3A_175 = arith.constant 2 : i32
      %add3A_176 = arith.addi %mul3A_76, %add3A_175 : i32
      %dma_start3A_177 = arith.constant 0 : i32
      %dma_start3A_178 = arith.constant 0 : i32
      %dma_start3A_179 = arith.constant 0 : i32
      %dma_start3A_180 = arith.constant 0 : i32
      %dma_start3A_181 = tpu.memref_slice %arg9[%dma_start3A_177, %dma_start3A_179, %dma_start3A_180] : memref<2x80x128xf32, #tpu.memory_space<vmem>> -> memref<1x80x128xf32, #tpu.memory_space<vmem>>
      %dma_start3A_182 = tpu.memref_squeeze %dma_start3A_181 : memref<1x80x128xf32, #tpu.memory_space<vmem>> -> memref<80x128xf32, #tpu.memory_space<vmem>>
      %dma_start3A_183 = arith.constant 0 : i32
      %dma_start3A_184 = tpu.memref_slice %arg7[%add3A_176, %dma_start3A_183] : memref<125x80xi32, #tpu.memory_space<vmem>> -> memref<1x80xi32, #tpu.memory_space<vmem>>
      %dma_start3A_185 = tpu.memref_squeeze %dma_start3A_184 : memref<1x80xi32, #tpu.memory_space<vmem>> -> memref<80xi32, #tpu.memory_space<vmem>>
      %dma_start3A_186 = arith.constant 0 : i32
      %dma_start3A_187 = arith.constant 0 : i32
      %dma_start3A_188 = tpu.memref_slice %arg2[%dma_start3A_186, %dma_start3A_187] : memref<10000x128xf32, #tpu.memory_space<hbm>> -> memref<10000x128xf32, #tpu.memory_space<hbm>>
      %dma_start3A_189 = tpu.memref_slice %arg11[%dma_start3A_178] : memref<2x!tpu.dma_semaphore, #tpu.memory_space<semaphore_mem>> -> memref<1x!tpu.dma_semaphore, #tpu.memory_space<semaphore_mem>>
      %dma_start3A_190 = tpu.memref_squeeze %dma_start3A_189 : memref<1x!tpu.dma_semaphore, #tpu.memory_space<semaphore_mem>> -> memref<!tpu.dma_semaphore, #tpu.memory_space<semaphore_mem>>
      tpu.enqueue_indirect_dma source(%dma_start3A_188 : memref<10000x128xf32, #tpu.memory_space<hbm>>) target(%dma_start3A_182 : memref<80x128xf32, #tpu.memory_space<vmem>>) offsets(%dma_start3A_185 : memref<80xi32, #tpu.memory_space<vmem>>) semaphore(%dma_start3A_190 : memref<!tpu.dma_semaphore, #tpu.memory_space<semaphore_mem>>)
      %dma_start3A_191 = arith.constant 0 : i32
      %dma_start3A_192 = arith.constant 0 : i32
      %dma_start3A_193 = arith.constant 0 : i32
      %dma_start3A_194 = arith.constant 0 : i32
      %dma_start3A_195 = tpu.memref_slice %arg10[%dma_start3A_191, %dma_start3A_193, %dma_start3A_194] : memref<2x80x128xf32, #tpu.memory_space<vmem>> -> memref<1x80x128xf32, #tpu.memory_space<vmem>>
      %dma_start3A_196 = tpu.memref_squeeze %dma_start3A_195 : memref<1x80x128xf32, #tpu.memory_space<vmem>> -> memref<80x128xf32, #tpu.memory_space<vmem>>
      %dma_start3A_197 = arith.constant 0 : i32
      %dma_start3A_198 = tpu.memref_slice %arg8[%add3A_176, %dma_start3A_197] : memref<125x80xi32, #tpu.memory_space<vmem>> -> memref<1x80xi32, #tpu.memory_space<vmem>>
      %dma_start3A_199 = tpu.memref_squeeze %dma_start3A_198 : memref<1x80xi32, #tpu.memory_space<vmem>> -> memref<80xi32, #tpu.memory_space<vmem>>
      %dma_start3A_200 = arith.constant 0 : i32
      %dma_start3A_201 = arith.constant 0 : i32
      %dma_start3A_202 = tpu.memref_slice %arg3[%dma_start3A_200, %dma_start3A_201] : memref<10000x128xf32, #tpu.memory_space<hbm>> -> memref<10000x128xf32, #tpu.memory_space<hbm>>
      %dma_start3A_203 = tpu.memref_slice %arg12[%dma_start3A_192] : memref<2x!tpu.dma_semaphore, #tpu.memory_space<semaphore_mem>> -> memref<1x!tpu.dma_semaphore, #tpu.memory_space<semaphore_mem>>
      %dma_start3A_204 = tpu.memref_squeeze %dma_start3A_203 : memref<1x!tpu.dma_semaphore, #tpu.memory_space<semaphore_mem>> -> memref<!tpu.dma_semaphore, #tpu.memory_space<semaphore_mem>>
      tpu.enqueue_indirect_dma source(%dma_start3A_202 : memref<10000x128xf32, #tpu.memory_space<hbm>>) target(%dma_start3A_196 : memref<80x128xf32, #tpu.memory_space<vmem>>) offsets(%dma_start3A_199 : memref<80xi32, #tpu.memory_space<vmem>>) semaphore(%dma_start3A_204 : memref<!tpu.dma_semaphore, #tpu.memory_space<semaphore_mem>>)
      %add3A_205 = arith.constant 1 : i32
      %add3A_206 = arith.addi %mul3A_76, %add3A_205 : i32
      %scan3A_207 = arith.constant 0 : i32
      %scan3A_208 = arith.constant 0 : i32
      %scan3A_209 = arith.constant 80 : i32
      %scan3A_210 = arith.addi %scan3A_208, %scan3A_209 : i32
      %scan3A_211 = arith.constant 1 : i32
      scf.for %scan3A_217 = %scan3A_208 to %scan3A_210 step %scan3A_211  : i32 {
        %get3A = arith.constant 1 : i32
        %get3A_218 = arith.index_cast %get3A : i32 to index
        %get3A_219 = arith.index_cast %scan3A_217 : i32 to index
        %get3A_220 = arith.constant 0 : index
        %get3A_221 = tpu.vector_load %arg9[%get3A_218, %get3A_219, %get3A_220] {strides = array<i32>} : memref<2x80x128xf32, #tpu.memory_space<vmem>>, vector<1x1x16xf32>,
        %get3A_222 = vector.shape_cast %get3A_221 : vector<1x1x16xf32> to vector<16xf32>
        %get3A_223 = arith.constant 1 : i32
        %get3A_224 = arith.index_cast %get3A_223 : i32 to index
        %get3A_225 = arith.index_cast %scan3A_217 : i32 to index
        %get3A_226 = arith.constant 0 : index
        %get3A_227 = tpu.vector_load %arg10[%get3A_224, %get3A_225, %get3A_226] {strides = array<i32>} : memref<2x80x128xf32, #tpu.memory_space<vmem>>, vector<1x1x16xf32>,
        %get3A_228 = vector.shape_cast %get3A_227 : vector<1x1x16xf32> to vector<16xf32>
        %add3A_229 = arith.addf %get3A_222, %get3A_228 : vector<16xf32>
        %swap3A = arith.constant 1 : i32
        %swap3A_230 = arith.index_cast %swap3A : i32 to index
        %swap3A_231 = arith.index_cast %scan3A_217 : i32 to index
        %swap3A_232 = arith.constant 0 : index
        %swap3A_233 = tpu.vector_load %arg9[%swap3A_230, %swap3A_231, %swap3A_232] {strides = array<i32>} : memref<2x80x128xf32, #tpu.memory_space<vmem>>, vector<1x1x16xf32>,
        %swap3A_234 = vector.shape_cast %swap3A_233 : vector<1x1x16xf32> to vector<16xf32>
        %swap3A_235 = vector.shape_cast %add3A_229 : vector<16xf32> to vector<1x1x16xf32>
        tpu.vector_store %arg9[%swap3A_230, %swap3A_231, %swap3A_232], %swap3A_235 {strides = array<i32>} : memref<2x80x128xf32, #tpu.memory_space<vmem>>, vector<1x1x16xf32>,
        %get3A_236 = arith.constant 1 : i32
        %get3A_237 = arith.index_cast %get3A_236 : i32 to index
        %get3A_238 = arith.index_cast %scan3A_217 : i32 to index
        %get3A_239 = arith.constant 16 : index
        %get3A_240 = tpu.vector_load %arg9[%get3A_237, %get3A_238, %get3A_239] {strides = array<i32>} : memref<2x80x128xf32, #tpu.memory_space<vmem>>, vector<1x1x16xf32>,
        %get3A_241 = vector.shape_cast %get3A_240 : vector<1x1x16xf32> to vector<16xf32>
        %get3A_242 = arith.constant 1 : i32
        %get3A_243 = arith.index_cast %get3A_242 : i32 to index
        %get3A_244 = arith.index_cast %scan3A_217 : i32 to index
        %get3A_245 = arith.constant 16 : index
        %get3A_246 = tpu.vector_load %arg10[%get3A_243, %get3A_244, %get3A_245] {strides = array<i32>} : memref<2x80x128xf32, #tpu.memory_space<vmem>>, vector<1x1x16xf32>,
        %get3A_247 = vector.shape_cast %get3A_246 : vector<1x1x16xf32> to vector<16xf32>
        %add3A_248 = arith.addf %get3A_241, %get3A_247 : vector<16xf32>
        %swap3A_249 = arith.constant 1 : i32
        %swap3A_250 = arith.index_cast %swap3A_249 : i32 to index
        %swap3A_251 = arith.index_cast %scan3A_217 : i32 to index
        %swap3A_252 = arith.constant 16 : index
        %swap3A_253 = tpu.vector_load %arg9[%swap3A_250, %swap3A_251, %swap3A_252] {strides = array<i32>} : memref<2x80x128xf32, #tpu.memory_space<vmem>>, vector<1x1x16xf32>,
        %swap3A_254 = vector.shape_cast %swap3A_253 : vector<1x1x16xf32> to vector<16xf32>
        %swap3A_255 = vector.shape_cast %add3A_248 : vector<16xf32> to vector<1x1x16xf32>
        tpu.vector_store %arg9[%swap3A_250, %swap3A_251, %swap3A_252], %swap3A_255 {strides = array<i32>} : memref<2x80x128xf32, #tpu.memory_space<vmem>>, vector<1x1x16xf32>,
        %get3A_256 = arith.constant 1 : i32
        %get3A_257 = arith.index_cast %get3A_256 : i32 to index
        %get3A_258 = arith.index_cast %scan3A_217 : i32 to index
        %get3A_259 = arith.constant 32 : index
        %get3A_260 = tpu.vector_load %arg9[%get3A_257, %get3A_258, %get3A_259] {strides = array<i32>} : memref<2x80x128xf32, #tpu.memory_space<vmem>>, vector<1x1x16xf32>,
        %get3A_261 = vector.shape_cast %get3A_260 : vector<1x1x16xf32> to vector<16xf32>
        %get3A_262 = arith.constant 1 : i32
        %get3A_263 = arith.index_cast %get3A_262 : i32 to index
        %get3A_264 = arith.index_cast %scan3A_217 : i32 to index
        %get3A_265 = arith.constant 32 : index
        %get3A_266 = tpu.vector_load %arg10[%get3A_263, %get3A_264, %get3A_265] {strides = array<i32>} : memref<2x80x128xf32, #tpu.memory_space<vmem>>, vector<1x1x16xf32>,
        %get3A_267 = vector.shape_cast %get3A_266 : vector<1x1x16xf32> to vector<16xf32>
        %add3A_268 = arith.addf %get3A_261, %get3A_267 : vector<16xf32>
        %swap3A_269 = arith.constant 1 : i32
        %swap3A_270 = arith.index_cast %swap3A_269 : i32 to index
        %swap3A_271 = arith.index_cast %scan3A_217 : i32 to index
        %swap3A_272 = arith.constant 32 : index
        %swap3A_273 = tpu.vector_load %arg9[%swap3A_270, %swap3A_271, %swap3A_272] {strides = array<i32>} : memref<2x80x128xf32, #tpu.memory_space<vmem>>, vector<1x1x16xf32>,
        %swap3A_274 = vector.shape_cast %swap3A_273 : vector<1x1x16xf32> to vector<16xf32>
        %swap3A_275 = vector.shape_cast %add3A_268 : vector<16xf32> to vector<1x1x16xf32>
        tpu.vector_store %arg9[%swap3A_270, %swap3A_271, %swap3A_272], %swap3A_275 {strides = array<i32>} : memref<2x80x128xf32, #tpu.memory_space<vmem>>, vector<1x1x16xf32>,
        %get3A_276 = arith.constant 1 : i32
        %get3A_277 = arith.index_cast %get3A_276 : i32 to index
        %get3A_278 = arith.index_cast %scan3A_217 : i32 to index
        %get3A_279 = arith.constant 48 : index
        %get3A_280 = tpu.vector_load %arg9[%get3A_277, %get3A_278, %get3A_279] {strides = array<i32>} : memref<2x80x128xf32, #tpu.memory_space<vmem>>, vector<1x1x16xf32>,
        %get3A_281 = vector.shape_cast %get3A_280 : vector<1x1x16xf32> to vector<16xf32>
        %get3A_282 = arith.constant 1 : i32
        %get3A_283 = arith.index_cast %get3A_282 : i32 to index
        %get3A_284 = arith.index_cast %scan3A_217 : i32 to index
        %get3A_285 = arith.constant 48 : index
        %get3A_286 = tpu.vector_load %arg10[%get3A_283, %get3A_284, %get3A_285] {strides = array<i32>} : memref<2x80x128xf32, #tpu.memory_space<vmem>>, vector<1x1x16xf32>,
        %get3A_287 = vector.shape_cast %get3A_286 : vector<1x1x16xf32> to vector<16xf32>
        %add3A_288 = arith.addf %get3A_281, %get3A_287 : vector<16xf32>
        %swap3A_289 = arith.constant 1 : i32
        %swap3A_290 = arith.index_cast %swap3A_289 : i32 to index
        %swap3A_291 = arith.index_cast %scan3A_217 : i32 to index
        %swap3A_292 = arith.constant 48 : index
        %swap3A_293 = tpu.vector_load %arg9[%swap3A_290, %swap3A_291, %swap3A_292] {strides = array<i32>} : memref<2x80x128xf32, #tpu.memory_space<vmem>>, vector<1x1x16xf32>,
        %swap3A_294 = vector.shape_cast %swap3A_293 : vector<1x1x16xf32> to vector<16xf32>
        %swap3A_295 = vector.shape_cast %add3A_288 : vector<16xf32> to vector<1x1x16xf32>
        tpu.vector_store %arg9[%swap3A_290, %swap3A_291, %swap3A_292], %swap3A_295 {strides = array<i32>} : memref<2x80x128xf32, #tpu.memory_space<vmem>>, vector<1x1x16xf32>,
        %get3A_296 = arith.constant 1 : i32
        %get3A_297 = arith.index_cast %get3A_296 : i32 to index
        %get3A_298 = arith.index_cast %scan3A_217 : i32 to index
        %get3A_299 = arith.constant 64 : index
        %get3A_300 = tpu.vector_load %arg9[%get3A_297, %get3A_298, %get3A_299] {strides = array<i32>} : memref<2x80x128xf32, #tpu.memory_space<vmem>>, vector<1x1x16xf32>,
        %get3A_301 = vector.shape_cast %get3A_300 : vector<1x1x16xf32> to vector<16xf32>
        %get3A_302 = arith.constant 1 : i32
        %get3A_303 = arith.index_cast %get3A_302 : i32 to index
        %get3A_304 = arith.index_cast %scan3A_217 : i32 to index
        %get3A_305 = arith.constant 64 : index
        %get3A_306 = tpu.vector_load %arg10[%get3A_303, %get3A_304, %get3A_305] {strides = array<i32>} : memref<2x80x128xf32, #tpu.memory_space<vmem>>, vector<1x1x16xf32>,
        %get3A_307 = vector.shape_cast %get3A_306 : vector<1x1x16xf32> to vector<16xf32>
        %add3A_308 = arith.addf %get3A_301, %get3A_307 : vector<16xf32>
        %swap3A_309 = arith.constant 1 : i32
        %swap3A_310 = arith.index_cast %swap3A_309 : i32 to index
        %swap3A_311 = arith.index_cast %scan3A_217 : i32 to index
        %swap3A_312 = arith.constant 64 : index
        %swap3A_313 = tpu.vector_load %arg9[%swap3A_310, %swap3A_311, %swap3A_312] {strides = array<i32>} : memref<2x80x128xf32, #tpu.memory_space<vmem>>, vector<1x1x16xf32>,
        %swap3A_314 = vector.shape_cast %swap3A_313 : vector<1x1x16xf32> to vector<16xf32>
        %swap3A_315 = vector.shape_cast %add3A_308 : vector<16xf32> to vector<1x1x16xf32>
        tpu.vector_store %arg9[%swap3A_310, %swap3A_311, %swap3A_312], %swap3A_315 {strides = array<i32>} : memref<2x80x128xf32, #tpu.memory_space<vmem>>, vector<1x1x16xf32>,
        %get3A_316 = arith.constant 1 : i32
        %get3A_317 = arith.index_cast %get3A_316 : i32 to index
        %get3A_318 = arith.index_cast %scan3A_217 : i32 to index
        %get3A_319 = arith.constant 80 : index
        %get3A_320 = tpu.vector_load %arg9[%get3A_317, %get3A_318, %get3A_319] {strides = array<i32>} : memref<2x80x128xf32, #tpu.memory_space<vmem>>, vector<1x1x16xf32>,
        %get3A_321 = vector.shape_cast %get3A_320 : vector<1x1x16xf32> to vector<16xf32>
        %get3A_322 = arith.constant 1 : i32
        %get3A_323 = arith.index_cast %get3A_322 : i32 to index
        %get3A_324 = arith.index_cast %scan3A_217 : i32 to index
        %get3A_325 = arith.constant 80 : index
        %get3A_326 = tpu.vector_load %arg10[%get3A_323, %get3A_324, %get3A_325] {strides = array<i32>} : memref<2x80x128xf32, #tpu.memory_space<vmem>>, vector<1x1x16xf32>,
        %get3A_327 = vector.shape_cast %get3A_326 : vector<1x1x16xf32> to vector<16xf32>
        %add3A_328 = arith.addf %get3A_321, %get3A_327 : vector<16xf32>
        %swap3A_329 = arith.constant 1 : i32
        %swap3A_330 = arith.index_cast %swap3A_329 : i32 to index
        %swap3A_331 = arith.index_cast %scan3A_217 : i32 to index
        %swap3A_332 = arith.constant 80 : index
        %swap3A_333 = tpu.vector_load %arg9[%swap3A_330, %swap3A_331, %swap3A_332] {strides = array<i32>} : memref<2x80x128xf32, #tpu.memory_space<vmem>>, vector<1x1x16xf32>,
        %swap3A_334 = vector.shape_cast %swap3A_333 : vector<1x1x16xf32> to vector<16xf32>
        %swap3A_335 = vector.shape_cast %add3A_328 : vector<16xf32> to vector<1x1x16xf32>
        tpu.vector_store %arg9[%swap3A_330, %swap3A_331, %swap3A_332], %swap3A_335 {strides = array<i32>} : memref<2x80x128xf32, #tpu.memory_space<vmem>>, vector<1x1x16xf32>,
        %get3A_336 = arith.constant 1 : i32
        %get3A_337 = arith.index_cast %get3A_336 : i32 to index
        %get3A_338 = arith.index_cast %scan3A_217 : i32 to index
        %get3A_339 = arith.constant 96 : index
        %get3A_340 = tpu.vector_load %arg9[%get3A_337, %get3A_338, %get3A_339] {strides = array<i32>} : memref<2x80x128xf32, #tpu.memory_space<vmem>>, vector<1x1x16xf32>,
        %get3A_341 = vector.shape_cast %get3A_340 : vector<1x1x16xf32> to vector<16xf32>
        %get3A_342 = arith.constant 1 : i32
        %get3A_343 = arith.index_cast %get3A_342 : i32 to index
        %get3A_344 = arith.index_cast %scan3A_217 : i32 to index
        %get3A_345 = arith.constant 96 : index
        %get3A_346 = tpu.vector_load %arg10[%get3A_343, %get3A_344, %get3A_345] {strides = array<i32>} : memref<2x80x128xf32, #tpu.memory_space<vmem>>, vector<1x1x16xf32>,
        %get3A_347 = vector.shape_cast %get3A_346 : vector<1x1x16xf32> to vector<16xf32>
        %add3A_348 = arith.addf %get3A_341, %get3A_347 : vector<16xf32>
        %swap3A_349 = arith.constant 1 : i32
        %swap3A_350 = arith.index_cast %swap3A_349 : i32 to index
        %swap3A_351 = arith.index_cast %scan3A_217 : i32 to index
        %swap3A_352 = arith.constant 96 : index
        %swap3A_353 = tpu.vector_load %arg9[%swap3A_350, %swap3A_351, %swap3A_352] {strides = array<i32>} : memref<2x80x128xf32, #tpu.memory_space<vmem>>, vector<1x1x16xf32>,
        %swap3A_354 = vector.shape_cast %swap3A_353 : vector<1x1x16xf32> to vector<16xf32>
        %swap3A_355 = vector.shape_cast %add3A_348 : vector<16xf32> to vector<1x1x16xf32>
        tpu.vector_store %arg9[%swap3A_350, %swap3A_351, %swap3A_352], %swap3A_355 {strides = array<i32>} : memref<2x80x128xf32, #tpu.memory_space<vmem>>, vector<1x1x16xf32>,
        %get3A_356 = arith.constant 1 : i32
        %get3A_357 = arith.index_cast %get3A_356 : i32 to index
        %get3A_358 = arith.index_cast %scan3A_217 : i32 to index
        %get3A_359 = arith.constant 112 : index
        %get3A_360 = tpu.vector_load %arg9[%get3A_357, %get3A_358, %get3A_359] {strides = array<i32>} : memref<2x80x128xf32, #tpu.memory_space<vmem>>, vector<1x1x16xf32>,
        %get3A_361 = vector.shape_cast %get3A_360 : vector<1x1x16xf32> to vector<16xf32>
        %get3A_362 = arith.constant 1 : i32
        %get3A_363 = arith.index_cast %get3A_362 : i32 to index
        %get3A_364 = arith.index_cast %scan3A_217 : i32 to index
        %get3A_365 = arith.constant 112 : index
        %get3A_366 = tpu.vector_load %arg10[%get3A_363, %get3A_364, %get3A_365] {strides = array<i32>} : memref<2x80x128xf32, #tpu.memory_space<vmem>>, vector<1x1x16xf32>,
        %get3A_367 = vector.shape_cast %get3A_366 : vector<1x1x16xf32> to vector<16xf32>
        %add3A_368 = arith.addf %get3A_361, %get3A_367 : vector<16xf32>
        %swap3A_369 = arith.constant 1 : i32
        %swap3A_370 = arith.index_cast %swap3A_369 : i32 to index
        %swap3A_371 = arith.index_cast %scan3A_217 : i32 to index
        %swap3A_372 = arith.constant 112 : index
        %swap3A_373 = tpu.vector_load %arg9[%swap3A_370, %swap3A_371, %swap3A_372] {strides = array<i32>} : memref<2x80x128xf32, #tpu.memory_space<vmem>>, vector<1x1x16xf32>,
        %swap3A_374 = vector.shape_cast %swap3A_373 : vector<1x1x16xf32> to vector<16xf32>
        %swap3A_375 = vector.shape_cast %add3A_368 : vector<16xf32> to vector<1x1x16xf32>
        tpu.vector_store %arg9[%swap3A_370, %swap3A_371, %swap3A_372], %swap3A_375 {strides = array<i32>} : memref<2x80x128xf32, #tpu.memory_space<vmem>>, vector<1x1x16xf32>,
      }
      %scan3A_212 = arith.constant 80 : i32
      %mul3A_213 = arith.constant 80 : i32
      %mul3A_214 = arith.muli %add3A_206, %mul3A_213 : i32
      %add3A_215 = arith.addi %mul3A_2, %mul3A_214 : i32
      %run_scoped3A_216 = arith.constant 1 : i32
      "tpu.region"() ({
        %run_scoped3A_217 = tpu.sem_alloc : memref<!tpu.dma_semaphore, #tpu.memory_space<semaphore_mem>>
        %dma_start3A_218 = arith.constant 0 : i32
        %dma_start3A_219 = arith.constant 0 : i32
        %dma_start3A_220 = tpu.memref_slice %arg9[%run_scoped3A_216, %dma_start3A_218, %dma_start3A_219] : memref<2x80x128xf32, #tpu.memory_space<vmem>> -> memref<1x80x128xf32, #tpu.memory_space<vmem>>
        %dma_start3A_221 = tpu.memref_squeeze %dma_start3A_220 : memref<1x80x128xf32, #tpu.memory_space<vmem>> -> memref<80x128xf32, #tpu.memory_space<vmem>>
        %dma_start3A_222 = arith.constant 0 : i32
        %dma_start3A_223 = tpu.memref_slice %arg6[%add3A_215, %dma_start3A_222] : memref<320000x128xf32, #tpu.memory_space<hbm>> -> memref<80x128xf32, #tpu.memory_space<hbm>>
        %dma_start3A_224 = arith.constant 0 : i32
        %dma_start3A_225 = tpu.memref_slice %arg6[%add3A_215, %dma_start3A_224] : memref<320000x128xf32, #tpu.memory_space<hbm>> -> memref<80x128xf32, #tpu.memory_space<hbm>>
        %dma_start3A_226 = arith.constant 0 : i32
        %dma_start3A_227 = arith.constant 0 : i32
        %dma_start3A_228 = tpu.memref_slice %arg9[%run_scoped3A_216, %dma_start3A_226, %dma_start3A_227] : memref<2x80x128xf32, #tpu.memory_space<vmem>> -> memref<1x80x128xf32, #tpu.memory_space<vmem>>
        %dma_start3A_229 = tpu.memref_squeeze %dma_start3A_228 : memref<1x80x128xf32, #tpu.memory_space<vmem>> -> memref<80x128xf32, #tpu.memory_space<vmem>>
        tpu.enqueue_dma source(%dma_start3A_229 : memref<80x128xf32, #tpu.memory_space<vmem>>) target(%dma_start3A_225 : memref<80x128xf32, #tpu.memory_space<hbm>>) target_semaphore(%run_scoped3A_217 : memref<!tpu.dma_semaphore, #tpu.memory_space<semaphore_mem>>)
        %dma_wait3A_230 = arith.constant 0 : i32
        %dma_wait3A_231 = arith.constant 0 : i32
        %dma_wait3A_232 = tpu.memref_slice %arg9[%run_scoped3A_216, %dma_wait3A_230, %dma_wait3A_231] : memref<2x80x128xf32, #tpu.memory_space<vmem>> -> memref<1x80x128xf32, #tpu.memory_space<vmem>>
        %dma_wait3A_233 = tpu.memref_squeeze %dma_wait3A_232 : memref<1x80x128xf32, #tpu.memory_space<vmem>> -> memref<80x128xf32, #tpu.memory_space<vmem>>
        %dma_wait3A_234 = arith.constant 0 : i32
        %dma_wait3A_235 = tpu.memref_slice %arg6[%add3A_215, %dma_wait3A_234] : memref<320000x128xf32, #tpu.memory_space<hbm>> -> memref<80x128xf32, #tpu.memory_space<hbm>>
        %dma_wait3A_236 = arith.constant 0 : i32
        %dma_wait3A_237 = tpu.memref_slice %arg6[%add3A_215, %dma_wait3A_236] : memref<320000x128xf32, #tpu.memory_space<hbm>> -> memref<80x128xf32, #tpu.memory_space<hbm>>
        %dma_wait3A_238 = arith.constant 0 : i32
        %dma_wait3A_239 = arith.constant 0 : i32
        %dma_wait3A_240 = tpu.memref_slice %arg9[%run_scoped3A_216, %dma_wait3A_238, %dma_wait3A_239] : memref<2x80x128xf32, #tpu.memory_space<vmem>> -> memref<1x80x128xf32, #tpu.memory_space<vmem>>
        %dma_wait3A_241 = tpu.memref_squeeze %dma_wait3A_240 : memref<1x80x128xf32, #tpu.memory_space<vmem>> -> memref<80x128xf32, #tpu.memory_space<vmem>>
        tpu.wait_dma2 semaphore(%run_scoped3A_217 : memref<!tpu.dma_semaphore, #tpu.memory_space<semaphore_mem>>) src(%dma_wait3A_241 : memref<80x128xf32, #tpu.memory_space<vmem>>) dst(%dma_wait3A_237 : memref<80x128xf32, #tpu.memory_space<hbm>>)
        tpu.yield
      }) : () -> ()
    }
    %scan3A_36 = arith.constant 62 : i32
    %dma_wait3A = arith.constant 124 : i32
    %dma_wait3A_37 = arith.constant 0 : i32
    %dma_wait3A_38 = arith.constant 0 : i32
    %dma_wait3A_39 = arith.constant 0 : i32
    %dma_wait3A_40 = arith.constant 0 : i32
    %dma_wait3A_41 = tpu.memref_slice %arg9[%dma_wait3A_37, %dma_wait3A_39, %dma_wait3A_40] : memref<2x80x128xf32, #tpu.memory_space<vmem>> -> memref<1x80x128xf32, #tpu.memory_space<vmem>>
    %dma_wait3A_42 = tpu.memref_squeeze %dma_wait3A_41 : memref<1x80x128xf32, #tpu.memory_space<vmem>> -> memref<80x128xf32, #tpu.memory_space<vmem>>
    %dma_wait3A_43 = arith.constant 0 : i32
    %dma_wait3A_44 = tpu.memref_slice %arg7[%dma_wait3A, %dma_wait3A_43] : memref<125x80xi32, #tpu.memory_space<vmem>> -> memref<1x80xi32, #tpu.memory_space<vmem>>
    %dma_wait3A_45 = tpu.memref_squeeze %dma_wait3A_44 : memref<1x80xi32, #tpu.memory_space<vmem>> -> memref<80xi32, #tpu.memory_space<vmem>>
    %dma_wait3A_46 = arith.constant 0 : i32
    %dma_wait3A_47 = arith.constant 0 : i32
    %dma_wait3A_48 = tpu.memref_slice %arg2[%dma_wait3A_46, %dma_wait3A_47] : memref<10000x128xf32, #tpu.memory_space<hbm>> -> memref<10000x128xf32, #tpu.memory_space<hbm>>
    %dma_wait3A_49 = tpu.memref_slice %arg11[%dma_wait3A_38] : memref<2x!tpu.dma_semaphore, #tpu.memory_space<semaphore_mem>> -> memref<1x!tpu.dma_semaphore, #tpu.memory_space<semaphore_mem>>
    %dma_wait3A_50 = tpu.memref_squeeze %dma_wait3A_49 : memref<1x!tpu.dma_semaphore, #tpu.memory_space<semaphore_mem>> -> memref<!tpu.dma_semaphore, #tpu.memory_space<semaphore_mem>>
    tpu.wait_indirect_dma semaphore(%dma_wait3A_50 : memref<!tpu.dma_semaphore, #tpu.memory_space<semaphore_mem>>) src(%dma_wait3A_48 : memref<10000x128xf32, #tpu.memory_space<hbm>>) dst(%dma_wait3A_42 : memref<80x128xf32, #tpu.memory_space<vmem>>)
    %dma_wait3A_51 = arith.constant 124 : i32
    %dma_wait3A_52 = arith.constant 0 : i32
    %dma_wait3A_53 = arith.constant 0 : i32
    %dma_wait3A_54 = arith.constant 0 : i32
    %dma_wait3A_55 = arith.constant 0 : i32
    %dma_wait3A_56 = tpu.memref_slice %arg10[%dma_wait3A_52, %dma_wait3A_54, %dma_wait3A_55] : memref<2x80x128xf32, #tpu.memory_space<vmem>> -> memref<1x80x128xf32, #tpu.memory_space<vmem>>
    %dma_wait3A_57 = tpu.memref_squeeze %dma_wait3A_56 : memref<1x80x128xf32, #tpu.memory_space<vmem>> -> memref<80x128xf32, #tpu.memory_space<vmem>>
    %dma_wait3A_58 = arith.constant 0 : i32
    %dma_wait3A_59 = tpu.memref_slice %arg8[%dma_wait3A_51, %dma_wait3A_58] : memref<125x80xi32, #tpu.memory_space<vmem>> -> memref<1x80xi32, #tpu.memory_space<vmem>>
    %dma_wait3A_60 = tpu.memref_squeeze %dma_wait3A_59 : memref<1x80xi32, #tpu.memory_space<vmem>> -> memref<80xi32, #tpu.memory_space<vmem>>
    %dma_wait3A_61 = arith.constant 0 : i32
    %dma_wait3A_62 = arith.constant 0 : i32
    %dma_wait3A_63 = tpu.memref_slice %arg3[%dma_wait3A_61, %dma_wait3A_62] : memref<10000x128xf32, #tpu.memory_space<hbm>> -> memref<10000x128xf32, #tpu.memory_space<hbm>>
    %dma_wait3A_64 = tpu.memref_slice %arg12[%dma_wait3A_53] : memref<2x!tpu.dma_semaphore, #tpu.memory_space<semaphore_mem>> -> memref<1x!tpu.dma_semaphore, #tpu.memory_space<semaphore_mem>>
    %dma_wait3A_65 = tpu.memref_squeeze %dma_wait3A_64 : memref<1x!tpu.dma_semaphore, #tpu.memory_space<semaphore_mem>> -> memref<!tpu.dma_semaphore, #tpu.memory_space<semaphore_mem>>
    tpu.wait_indirect_dma semaphore(%dma_wait3A_65 : memref<!tpu.dma_semaphore, #tpu.memory_space<semaphore_mem>>) src(%dma_wait3A_63 : memref<10000x128xf32, #tpu.memory_space<hbm>>) dst(%dma_wait3A_57 : memref<80x128xf32, #tpu.memory_space<vmem>>)
    %scan3A_66 = arith.constant 0 : i32
    %scan3A_67 = arith.constant 0 : i32
    %scan3A_68 = arith.constant 80 : i32
    %scan3A_69 = arith.addi %scan3A_67, %scan3A_68 : i32
    %scan3A_70 = arith.constant 1 : i32
    scf.for %scan3A_74 = %scan3A_67 to %scan3A_69 step %scan3A_70  : i32 {
      %get3A = arith.constant 0 : i32
      %get3A_75 = arith.index_cast %get3A : i32 to index
      %get3A_76 = arith.index_cast %scan3A_74 : i32 to index
      %get3A_77 = arith.constant 0 : index
      %get3A_78 = tpu.vector_load %arg9[%get3A_75, %get3A_76, %get3A_77] {strides = array<i32>} : memref<2x80x128xf32, #tpu.memory_space<vmem>>, vector<1x1x16xf32>,
      %get3A_79 = vector.shape_cast %get3A_78 : vector<1x1x16xf32> to vector<16xf32>
      %get3A_80 = arith.constant 0 : i32
      %get3A_81 = arith.index_cast %get3A_80 : i32 to index
      %get3A_82 = arith.index_cast %scan3A_74 : i32 to index
      %get3A_83 = arith.constant 0 : index
      %get3A_84 = tpu.vector_load %arg10[%get3A_81, %get3A_82, %get3A_83] {strides = array<i32>} : memref<2x80x128xf32, #tpu.memory_space<vmem>>, vector<1x1x16xf32>,
      %get3A_85 = vector.shape_cast %get3A_84 : vector<1x1x16xf32> to vector<16xf32>
      %add3A_86 = arith.addf %get3A_79, %get3A_85 : vector<16xf32>
      %swap3A = arith.constant 0 : i32
      %swap3A_87 = arith.index_cast %swap3A : i32 to index
      %swap3A_88 = arith.index_cast %scan3A_74 : i32 to index
      %swap3A_89 = arith.constant 0 : index
      %swap3A_90 = tpu.vector_load %arg9[%swap3A_87, %swap3A_88, %swap3A_89] {strides = array<i32>} : memref<2x80x128xf32, #tpu.memory_space<vmem>>, vector<1x1x16xf32>,
      %swap3A_91 = vector.shape_cast %swap3A_90 : vector<1x1x16xf32> to vector<16xf32>
      %swap3A_92 = vector.shape_cast %add3A_86 : vector<16xf32> to vector<1x1x16xf32>
      tpu.vector_store %arg9[%swap3A_87, %swap3A_88, %swap3A_89], %swap3A_92 {strides = array<i32>} : memref<2x80x128xf32, #tpu.memory_space<vmem>>, vector<1x1x16xf32>,
      %get3A_93 = arith.constant 0 : i32
      %get3A_94 = arith.index_cast %get3A_93 : i32 to index
      %get3A_95 = arith.index_cast %scan3A_74 : i32 to index
      %get3A_96 = arith.constant 16 : index
      %get3A_97 = tpu.vector_load %arg9[%get3A_94, %get3A_95, %get3A_96] {strides = array<i32>} : memref<2x80x128xf32, #tpu.memory_space<vmem>>, vector<1x1x16xf32>,
      %get3A_98 = vector.shape_cast %get3A_97 : vector<1x1x16xf32> to vector<16xf32>
      %get3A_99 = arith.constant 0 : i32
      %get3A_100 = arith.index_cast %get3A_99 : i32 to index
      %get3A_101 = arith.index_cast %scan3A_74 : i32 to index
      %get3A_102 = arith.constant 16 : index
      %get3A_103 = tpu.vector_load %arg10[%get3A_100, %get3A_101, %get3A_102] {strides = array<i32>} : memref<2x80x128xf32, #tpu.memory_space<vmem>>, vector<1x1x16xf32>,
      %get3A_104 = vector.shape_cast %get3A_103 : vector<1x1x16xf32> to vector<16xf32>
      %add3A_105 = arith.addf %get3A_98, %get3A_104 : vector<16xf32>
      %swap3A_106 = arith.constant 0 : i32
      %swap3A_107 = arith.index_cast %swap3A_106 : i32 to index
      %swap3A_108 = arith.index_cast %scan3A_74 : i32 to index
      %swap3A_109 = arith.constant 16 : index
      %swap3A_110 = tpu.vector_load %arg9[%swap3A_107, %swap3A_108, %swap3A_109] {strides = array<i32>} : memref<2x80x128xf32, #tpu.memory_space<vmem>>, vector<1x1x16xf32>,
      %swap3A_111 = vector.shape_cast %swap3A_110 : vector<1x1x16xf32> to vector<16xf32>
      %swap3A_112 = vector.shape_cast %add3A_105 : vector<16xf32> to vector<1x1x16xf32>
      tpu.vector_store %arg9[%swap3A_107, %swap3A_108, %swap3A_109], %swap3A_112 {strides = array<i32>} : memref<2x80x128xf32, #tpu.memory_space<vmem>>, vector<1x1x16xf32>,
      %get3A_113 = arith.constant 0 : i32
      %get3A_114 = arith.index_cast %get3A_113 : i32 to index
      %get3A_115 = arith.index_cast %scan3A_74 : i32 to index
      %get3A_116 = arith.constant 32 : index
      %get3A_117 = tpu.vector_load %arg9[%get3A_114, %get3A_115, %get3A_116] {strides = array<i32>} : memref<2x80x128xf32, #tpu.memory_space<vmem>>, vector<1x1x16xf32>,
      %get3A_118 = vector.shape_cast %get3A_117 : vector<1x1x16xf32> to vector<16xf32>
      %get3A_119 = arith.constant 0 : i32
      %get3A_120 = arith.index_cast %get3A_119 : i32 to index
      %get3A_121 = arith.index_cast %scan3A_74 : i32 to index
      %get3A_122 = arith.constant 32 : index
      %get3A_123 = tpu.vector_load %arg10[%get3A_120, %get3A_121, %get3A_122] {strides = array<i32>} : memref<2x80x128xf32, #tpu.memory_space<vmem>>, vector<1x1x16xf32>,
      %get3A_124 = vector.shape_cast %get3A_123 : vector<1x1x16xf32> to vector<16xf32>
      %add3A_125 = arith.addf %get3A_118, %get3A_124 : vector<16xf32>
      %swap3A_126 = arith.constant 0 : i32
      %swap3A_127 = arith.index_cast %swap3A_126 : i32 to index
      %swap3A_128 = arith.index_cast %scan3A_74 : i32 to index
      %swap3A_129 = arith.constant 32 : index
      %swap3A_130 = tpu.vector_load %arg9[%swap3A_127, %swap3A_128, %swap3A_129] {strides = array<i32>} : memref<2x80x128xf32, #tpu.memory_space<vmem>>, vector<1x1x16xf32>,
      %swap3A_131 = vector.shape_cast %swap3A_130 : vector<1x1x16xf32> to vector<16xf32>
      %swap3A_132 = vector.shape_cast %add3A_125 : vector<16xf32> to vector<1x1x16xf32>
      tpu.vector_store %arg9[%swap3A_127, %swap3A_128, %swap3A_129], %swap3A_132 {strides = array<i32>} : memref<2x80x128xf32, #tpu.memory_space<vmem>>, vector<1x1x16xf32>,
      %get3A_133 = arith.constant 0 : i32
      %get3A_134 = arith.index_cast %get3A_133 : i32 to index
      %get3A_135 = arith.index_cast %scan3A_74 : i32 to index
      %get3A_136 = arith.constant 48 : index
      %get3A_137 = tpu.vector_load %arg9[%get3A_134, %get3A_135, %get3A_136] {strides = array<i32>} : memref<2x80x128xf32, #tpu.memory_space<vmem>>, vector<1x1x16xf32>,
      %get3A_138 = vector.shape_cast %get3A_137 : vector<1x1x16xf32> to vector<16xf32>
      %get3A_139 = arith.constant 0 : i32
      %get3A_140 = arith.index_cast %get3A_139 : i32 to index
      %get3A_141 = arith.index_cast %scan3A_74 : i32 to index
      %get3A_142 = arith.constant 48 : index
      %get3A_143 = tpu.vector_load %arg10[%get3A_140, %get3A_141, %get3A_142] {strides = array<i32>} : memref<2x80x128xf32, #tpu.memory_space<vmem>>, vector<1x1x16xf32>,
      %get3A_144 = vector.shape_cast %get3A_143 : vector<1x1x16xf32> to vector<16xf32>
      %add3A_145 = arith.addf %get3A_138, %get3A_144 : vector<16xf32>
      %swap3A_146 = arith.constant 0 : i32
      %swap3A_147 = arith.index_cast %swap3A_146 : i32 to index
      %swap3A_148 = arith.index_cast %scan3A_74 : i32 to index
      %swap3A_149 = arith.constant 48 : index
      %swap3A_150 = tpu.vector_load %arg9[%swap3A_147, %swap3A_148, %swap3A_149] {strides = array<i32>} : memref<2x80x128xf32, #tpu.memory_space<vmem>>, vector<1x1x16xf32>,
      %swap3A_151 = vector.shape_cast %swap3A_150 : vector<1x1x16xf32> to vector<16xf32>
      %swap3A_152 = vector.shape_cast %add3A_145 : vector<16xf32> to vector<1x1x16xf32>
      tpu.vector_store %arg9[%swap3A_147, %swap3A_148, %swap3A_149], %swap3A_152 {strides = array<i32>} : memref<2x80x128xf32, #tpu.memory_space<vmem>>, vector<1x1x16xf32>,
      %get3A_153 = arith.constant 0 : i32
      %get3A_154 = arith.index_cast %get3A_153 : i32 to index
      %get3A_155 = arith.index_cast %scan3A_74 : i32 to index
      %get3A_156 = arith.constant 64 : index
      %get3A_157 = tpu.vector_load %arg9[%get3A_154, %get3A_155, %get3A_156] {strides = array<i32>} : memref<2x80x128xf32, #tpu.memory_space<vmem>>, vector<1x1x16xf32>,
      %get3A_158 = vector.shape_cast %get3A_157 : vector<1x1x16xf32> to vector<16xf32>
      %get3A_159 = arith.constant 0 : i32
      %get3A_160 = arith.index_cast %get3A_159 : i32 to index
      %get3A_161 = arith.index_cast %scan3A_74 : i32 to index
      %get3A_162 = arith.constant 64 : index
      %get3A_163 = tpu.vector_load %arg10[%get3A_160, %get3A_161, %get3A_162] {strides = array<i32>} : memref<2x80x128xf32, #tpu.memory_space<vmem>>, vector<1x1x16xf32>,
      %get3A_164 = vector.shape_cast %get3A_163 : vector<1x1x16xf32> to vector<16xf32>
      %add3A_165 = arith.addf %get3A_158, %get3A_164 : vector<16xf32>
      %swap3A_166 = arith.constant 0 : i32
      %swap3A_167 = arith.index_cast %swap3A_166 : i32 to index
      %swap3A_168 = arith.index_cast %scan3A_74 : i32 to index
      %swap3A_169 = arith.constant 64 : index
      %swap3A_170 = tpu.vector_load %arg9[%swap3A_167, %swap3A_168, %swap3A_169] {strides = array<i32>} : memref<2x80x128xf32, #tpu.memory_space<vmem>>, vector<1x1x16xf32>,
      %swap3A_171 = vector.shape_cast %swap3A_170 : vector<1x1x16xf32> to vector<16xf32>
      %swap3A_172 = vector.shape_cast %add3A_165 : vector<16xf32> to vector<1x1x16xf32>
      tpu.vector_store %arg9[%swap3A_167, %swap3A_168, %swap3A_169], %swap3A_172 {strides = array<i32>} : memref<2x80x128xf32, #tpu.memory_space<vmem>>, vector<1x1x16xf32>,
      %get3A_173 = arith.constant 0 : i32
      %get3A_174 = arith.index_cast %get3A_173 : i32 to index
      %get3A_175 = arith.index_cast %scan3A_74 : i32 to index
      %get3A_176 = arith.constant 80 : index
      %get3A_177 = tpu.vector_load %arg9[%get3A_174, %get3A_175, %get3A_176] {strides = array<i32>} : memref<2x80x128xf32, #tpu.memory_space<vmem>>, vector<1x1x16xf32>,
      %get3A_178 = vector.shape_cast %get3A_177 : vector<1x1x16xf32> to vector<16xf32>
      %get3A_179 = arith.constant 0 : i32
      %get3A_180 = arith.index_cast %get3A_179 : i32 to index
      %get3A_181 = arith.index_cast %scan3A_74 : i32 to index
      %get3A_182 = arith.constant 80 : index
      %get3A_183 = tpu.vector_load %arg10[%get3A_180, %get3A_181, %get3A_182] {strides = array<i32>} : memref<2x80x128xf32, #tpu.memory_space<vmem>>, vector<1x1x16xf32>,
      %get3A_184 = vector.shape_cast %get3A_183 : vector<1x1x16xf32> to vector<16xf32>
      %add3A_185 = arith.addf %get3A_178, %get3A_184 : vector<16xf32>
      %swap3A_186 = arith.constant 0 : i32
      %swap3A_187 = arith.index_cast %swap3A_186 : i32 to index
      %swap3A_188 = arith.index_cast %scan3A_74 : i32 to index
      %swap3A_189 = arith.constant 80 : index
      %swap3A_190 = tpu.vector_load %arg9[%swap3A_187, %swap3A_188, %swap3A_189] {strides = array<i32>} : memref<2x80x128xf32, #tpu.memory_space<vmem>>, vector<1x1x16xf32>,
      %swap3A_191 = vector.shape_cast %swap3A_190 : vector<1x1x16xf32> to vector<16xf32>
      %swap3A_192 = vector.shape_cast %add3A_185 : vector<16xf32> to vector<1x1x16xf32>
      tpu.vector_store %arg9[%swap3A_187, %swap3A_188, %swap3A_189], %swap3A_192 {strides = array<i32>} : memref<2x80x128xf32, #tpu.memory_space<vmem>>, vector<1x1x16xf32>,
      %get3A_193 = arith.constant 0 : i32
      %get3A_194 = arith.index_cast %get3A_193 : i32 to index
      %get3A_195 = arith.index_cast %scan3A_74 : i32 to index
      %get3A_196 = arith.constant 96 : index
      %get3A_197 = tpu.vector_load %arg9[%get3A_194, %get3A_195, %get3A_196] {strides = array<i32>} : memref<2x80x128xf32, #tpu.memory_space<vmem>>, vector<1x1x16xf32>,
      %get3A_198 = vector.shape_cast %get3A_197 : vector<1x1x16xf32> to vector<16xf32>
      %get3A_199 = arith.constant 0 : i32
      %get3A_200 = arith.index_cast %get3A_199 : i32 to index
      %get3A_201 = arith.index_cast %scan3A_74 : i32 to index
      %get3A_202 = arith.constant 96 : index
      %get3A_203 = tpu.vector_load %arg10[%get3A_200, %get3A_201, %get3A_202] {strides = array<i32>} : memref<2x80x128xf32, #tpu.memory_space<vmem>>, vector<1x1x16xf32>,
      %get3A_204 = vector.shape_cast %get3A_203 : vector<1x1x16xf32> to vector<16xf32>
      %add3A_205 = arith.addf %get3A_198, %get3A_204 : vector<16xf32>
      %swap3A_206 = arith.constant 0 : i32
      %swap3A_207 = arith.index_cast %swap3A_206 : i32 to index
      %swap3A_208 = arith.index_cast %scan3A_74 : i32 to index
      %swap3A_209 = arith.constant 96 : index
      %swap3A_210 = tpu.vector_load %arg9[%swap3A_207, %swap3A_208, %swap3A_209] {strides = array<i32>} : memref<2x80x128xf32, #tpu.memory_space<vmem>>, vector<1x1x16xf32>,
      %swap3A_211 = vector.shape_cast %swap3A_210 : vector<1x1x16xf32> to vector<16xf32>
      %swap3A_212 = vector.shape_cast %add3A_205 : vector<16xf32> to vector<1x1x16xf32>
      tpu.vector_store %arg9[%swap3A_207, %swap3A_208, %swap3A_209], %swap3A_212 {strides = array<i32>} : memref<2x80x128xf32, #tpu.memory_space<vmem>>, vector<1x1x16xf32>,
      %get3A_213 = arith.constant 0 : i32
      %get3A_214 = arith.index_cast %get3A_213 : i32 to index
      %get3A_215 = arith.index_cast %scan3A_74 : i32 to index
      %get3A_216 = arith.constant 112 : index
      %get3A_217 = tpu.vector_load %arg9[%get3A_214, %get3A_215, %get3A_216] {strides = array<i32>} : memref<2x80x128xf32, #tpu.memory_space<vmem>>, vector<1x1x16xf32>,
      %get3A_218 = vector.shape_cast %get3A_217 : vector<1x1x16xf32> to vector<16xf32>
      %get3A_219 = arith.constant 0 : i32
      %get3A_220 = arith.index_cast %get3A_219 : i32 to index
      %get3A_221 = arith.index_cast %scan3A_74 : i32 to index
      %get3A_222 = arith.constant 112 : index
      %get3A_223 = tpu.vector_load %arg10[%get3A_220, %get3A_221, %get3A_222] {strides = array<i32>} : memref<2x80x128xf32, #tpu.memory_space<vmem>>, vector<1x1x16xf32>,
      %get3A_224 = vector.shape_cast %get3A_223 : vector<1x1x16xf32> to vector<16xf32>
      %add3A_225 = arith.addf %get3A_218, %get3A_224 : vector<16xf32>
      %swap3A_226 = arith.constant 0 : i32
      %swap3A_227 = arith.index_cast %swap3A_226 : i32 to index
      %swap3A_228 = arith.index_cast %scan3A_74 : i32 to index
      %swap3A_229 = arith.constant 112 : index
      %swap3A_230 = tpu.vector_load %arg9[%swap3A_227, %swap3A_228, %swap3A_229] {strides = array<i32>} : memref<2x80x128xf32, #tpu.memory_space<vmem>>, vector<1x1x16xf32>,
      %swap3A_231 = vector.shape_cast %swap3A_230 : vector<1x1x16xf32> to vector<16xf32>
      %swap3A_232 = vector.shape_cast %add3A_225 : vector<16xf32> to vector<1x1x16xf32>
      tpu.vector_store %arg9[%swap3A_227, %swap3A_228, %swap3A_229], %swap3A_232 {strides = array<i32>} : memref<2x80x128xf32, #tpu.memory_space<vmem>>, vector<1x1x16xf32>,
    }
    %scan3A_71 = arith.constant 80 : i32
    %add3A_72 = arith.constant 9920 : i32
    %add3A_73 = arith.addi %mul3A_2, %add3A_72 : i32
    %run_scoped3A = arith.constant 0 : i32
    "tpu.region"() ({
      %run_scoped3A_74 = tpu.sem_alloc : memref<!tpu.dma_semaphore, #tpu.memory_space<semaphore_mem>>
      %dma_start3A_75 = arith.constant 0 : i32
      %dma_start3A_76 = arith.constant 0 : i32
      %dma_start3A_77 = tpu.memref_slice %arg9[%run_scoped3A, %dma_start3A_75, %dma_start3A_76] : memref<2x80x128xf32, #tpu.memory_space<vmem>> -> memref<1x80x128xf32, #tpu.memory_space<vmem>>
      %dma_start3A_78 = tpu.memref_squeeze %dma_start3A_77 : memref<1x80x128xf32, #tpu.memory_space<vmem>> -> memref<80x128xf32, #tpu.memory_space<vmem>>
      %dma_start3A_79 = arith.constant 0 : i32
      %dma_start3A_80 = tpu.memref_slice %arg6[%add3A_73, %dma_start3A_79] : memref<320000x128xf32, #tpu.memory_space<hbm>> -> memref<80x128xf32, #tpu.memory_space<hbm>>
      %dma_start3A_81 = arith.constant 0 : i32
      %dma_start3A_82 = tpu.memref_slice %arg6[%add3A_73, %dma_start3A_81] : memref<320000x128xf32, #tpu.memory_space<hbm>> -> memref<80x128xf32, #tpu.memory_space<hbm>>
      %dma_start3A_83 = arith.constant 0 : i32
      %dma_start3A_84 = arith.constant 0 : i32
      %dma_start3A_85 = tpu.memref_slice %arg9[%run_scoped3A, %dma_start3A_83, %dma_start3A_84] : memref<2x80x128xf32, #tpu.memory_space<vmem>> -> memref<1x80x128xf32, #tpu.memory_space<vmem>>
      %dma_start3A_86 = tpu.memref_squeeze %dma_start3A_85 : memref<1x80x128xf32, #tpu.memory_space<vmem>> -> memref<80x128xf32, #tpu.memory_space<vmem>>
      tpu.enqueue_dma source(%dma_start3A_86 : memref<80x128xf32, #tpu.memory_space<vmem>>) target(%dma_start3A_82 : memref<80x128xf32, #tpu.memory_space<hbm>>) target_semaphore(%run_scoped3A_74 : memref<!tpu.dma_semaphore, #tpu.memory_space<semaphore_mem>>)
      %dma_wait3A_87 = arith.constant 0 : i32
      %dma_wait3A_88 = arith.constant 0 : i32
      %dma_wait3A_89 = tpu.memref_slice %arg9[%run_scoped3A, %dma_wait3A_87, %dma_wait3A_88] : memref<2x80x128xf32, #tpu.memory_space<vmem>> -> memref<1x80x128xf32, #tpu.memory_space<vmem>>
      %dma_wait3A_90 = tpu.memref_squeeze %dma_wait3A_89 : memref<1x80x128xf32, #tpu.memory_space<vmem>> -> memref<80x128xf32, #tpu.memory_space<vmem>>
      %dma_wait3A_91 = arith.constant 0 : i32
      %dma_wait3A_92 = tpu.memref_slice %arg6[%add3A_73, %dma_wait3A_91] : memref<320000x128xf32, #tpu.memory_space<hbm>> -> memref<80x128xf32, #tpu.memory_space<hbm>>
      %dma_wait3A_93 = arith.constant 0 : i32
      %dma_wait3A_94 = tpu.memref_slice %arg6[%add3A_73, %dma_wait3A_93] : memref<320000x128xf32, #tpu.memory_space<hbm>> -> memref<80x128xf32, #tpu.memory_space<hbm>>
      %dma_wait3A_95 = arith.constant 0 : i32
      %dma_wait3A_96 = arith.constant 0 : i32
      %dma_wait3A_97 = tpu.memref_slice %arg9[%run_scoped3A, %dma_wait3A_95, %dma_wait3A_96] : memref<2x80x128xf32, #tpu.memory_space<vmem>> -> memref<1x80x128xf32, #tpu.memory_space<vmem>>
      %dma_wait3A_98 = tpu.memref_squeeze %dma_wait3A_97 : memref<1x80x128xf32, #tpu.memory_space<vmem>> -> memref<80x128xf32, #tpu.memory_space<vmem>>
      tpu.wait_dma2 semaphore(%run_scoped3A_74 : memref<!tpu.dma_semaphore, #tpu.memory_space<semaphore_mem>>) src(%dma_wait3A_98 : memref<80x128xf32, #tpu.memory_space<vmem>>) dst(%dma_wait3A_94 : memref<80x128xf32, #tpu.memory_space<hbm>>)
      tpu.yield
    }) : () -> ()
    return
  }
}

module attributes {stable_mosaic.version = 14 : i64} {
  func.func @_edge_body(%arg0: i32, %arg1: memref<2000x128xf32, #tpu.memory_space<vmem>>, %arg2: memref<2000x128xf32, #tpu.memory_space<vmem>>, %arg3: memref<384x128xf32, #tpu.memory_space<vmem>>, %arg4: memref<1x128xf32, #tpu.memory_space<vmem>>, %arg5: memref<128x128xf32, #tpu.memory_space<vmem>>, %arg6: memref<1x128xf32, #tpu.memory_space<vmem>>, %arg7: memref<1x128xf32, #tpu.memory_space<vmem>>, %arg8: memref<1x128xf32, #tpu.memory_space<vmem>>, %arg9: memref<2000x128xf32, #tpu.memory_space<vmem>>, %arg10: memref<2000x128xf32, #tpu.memory_space<vmem>>) attributes {dimension_semantics = [#tpu.dimension_semantics<arbitrary>], iteration_bounds = array<i64: 160>, scalar_prefetch = 0 : i64, scratch_operands = 0 : i64, tpu.core_type = #tpu.core_type<tc>, window_params = [{transform_indices = @transform_0, window_bounds = array<i64: 2000, 128>}, {transform_indices = @transform_1, window_bounds = array<i64: 2000, 128>}, {pipeline_mode = #tpu.pipeline_mode<synchronous>, transform_indices = @transform_2, window_bounds = array<i64: 384, 128>}, {pipeline_mode = #tpu.pipeline_mode<synchronous>, transform_indices = @transform_3, window_bounds = array<i64: 1, 128>}, {pipeline_mode = #tpu.pipeline_mode<synchronous>, transform_indices = @transform_4, window_bounds = array<i64: 128, 128>}, {pipeline_mode = #tpu.pipeline_mode<synchronous>, transform_indices = @transform_5, window_bounds = array<i64: 1, 128>}, {pipeline_mode = #tpu.pipeline_mode<synchronous>, transform_indices = @transform_6, window_bounds = array<i64: 1, 128>}, {pipeline_mode = #tpu.pipeline_mode<synchronous>, transform_indices = @transform_7, window_bounds = array<i64: 1, 128>}, {transform_indices = @transform_8, window_bounds = array<i64: 2000, 128>}, {transform_indices = @transform_9, window_bounds = array<i64: 2000, 128>}]} {
    %get3A = arith.constant 0 : index
    %get3A_0 = arith.constant 0 : index
    %get3A_1 = vector.load %arg1[%get3A, %get3A_0] : memref<2000x128xf32, #tpu.memory_space<vmem>>, vector<2000x128xf32>
    %get3A_2 = arith.constant 256 : index
    %get3A_3 = arith.constant 0 : index
    %get3A_4 = vector.load %arg3[%get3A_2, %get3A_3] : memref<384x128xf32, #tpu.memory_space<vmem>>, vector<128x128xf32>
    %dot_general3A = arith.constant dense<0.000000e+00> : vector<2000x128xf32>
    %dot_general3A_5 = tpu.matmul %get3A_1, %get3A_4, %dot_general3A {dimension_numbers = #tpu.dot_dimension_numbers<[1], [0], [0], [1], [0, 0, 1, 1], [], []>, transpose_lhs_hint = false} : vector<2000x128xf32>, vector<128x128xf32>, vector<2000x128xf32> -> vector<2000x128xf32>
    %get3A_6 = arith.constant 0 : index
    %get3A_7 = arith.constant 0 : index
    %get3A_8 = vector.load %arg2[%get3A_6, %get3A_7] : memref<2000x128xf32, #tpu.memory_space<vmem>>, vector<2000x128xf32>
    %add3A = arith.addf %dot_general3A_5, %get3A_8 : vector<2000x128xf32>
    %get3A_9 = arith.constant 0 : index
    %get3A_10 = arith.constant 0 : index
    %get3A_11 = vector.load %arg4[%get3A_9, %get3A_10] : memref<1x128xf32, #tpu.memory_space<vmem>>, vector<1x128xf32>
    %add3A_12 = vector.broadcast %get3A_11 : vector<1x128xf32> to vector<2000x128xf32>
    %add3A_13 = arith.addf %add3A, %add3A_12 : vector<2000x128xf32>
    %max3A = arith.constant 0.000000e+00 : f32
    %max3A_14 = vector.broadcast %max3A : f32 to vector<2000x128xf32>
    %max3A_15 = arith.maximumf %add3A_13, %max3A_14 : vector<2000x128xf32>
    %get3A_16 = arith.constant 0 : index
    %get3A_17 = arith.constant 0 : index
    %get3A_18 = vector.load %arg5[%get3A_16, %get3A_17] : memref<128x128xf32, #tpu.memory_space<vmem>>, vector<128x128xf32>
    %dot_general3A_19 = arith.constant dense<0.000000e+00> : vector<2000x128xf32>
    %dot_general3A_20 = tpu.matmul %max3A_15, %get3A_18, %dot_general3A_19 {dimension_numbers = #tpu.dot_dimension_numbers<[1], [0], [0], [1], [0, 0, 1, 1], [], []>, transpose_lhs_hint = false} : vector<2000x128xf32>, vector<128x128xf32>, vector<2000x128xf32> -> vector<2000x128xf32>
    %get3A_21 = arith.constant 0 : index
    %get3A_22 = arith.constant 0 : index
    %get3A_23 = vector.load %arg6[%get3A_21, %get3A_22] : memref<1x128xf32, #tpu.memory_space<vmem>>, vector<1x128xf32>
    %add3A_24 = vector.broadcast %get3A_23 : vector<1x128xf32> to vector<2000x128xf32>
    %add3A_25 = arith.addf %dot_general3A_20, %add3A_24 : vector<2000x128xf32>
    %get3A_26 = arith.constant 0 : index
    %get3A_27 = arith.constant 0 : index
    %get3A_28 = vector.load %arg7[%get3A_26, %get3A_27] : memref<1x128xf32, #tpu.memory_space<vmem>>, vector<1x128xf32>
    %get3A_29 = arith.constant 0 : index
    %get3A_30 = arith.constant 0 : index
    %get3A_31 = vector.load %arg8[%get3A_29, %get3A_30] : memref<1x128xf32, #tpu.memory_space<vmem>>, vector<1x128xf32>
    %reduce_sum3A = arith.constant dense<0.000000e+00> : vector<2000xf32>
    %reduce_sum3A_32 = vector.multi_reduction <add>, %add3A_25, %reduce_sum3A [1] : vector<2000x128xf32> to vector<2000xf32>
    %broadcast_in_dim3A = vector.shape_cast %reduce_sum3A_32 : vector<2000xf32> to vector<2000x1xf32>
    %div3A = arith.constant 1.280000e+02 : f32
    %div3A_33 = vector.broadcast %div3A : f32 to vector<2000x1xf32>
    %div3A_34 = arith.divf %broadcast_in_dim3A, %div3A_33 : vector<2000x1xf32>
    %sub3A = vector.broadcast %div3A_34 : vector<2000x1xf32> to vector<2000x128xf32>
    %sub3A_35 = arith.subf %add3A_25, %sub3A : vector<2000x128xf32>
    %integer_pow3A = arith.mulf %sub3A_35, %sub3A_35 : vector<2000x128xf32>
    %reduce_sum3A_36 = arith.constant dense<0.000000e+00> : vector<2000xf32>
    %reduce_sum3A_37 = vector.multi_reduction <add>, %integer_pow3A, %reduce_sum3A_36 [1] : vector<2000x128xf32> to vector<2000xf32>
    %broadcast_in_dim3A_38 = vector.shape_cast %reduce_sum3A_37 : vector<2000xf32> to vector<2000x1xf32>
    %div3A_39 = arith.constant 1.280000e+02 : f32
    %div3A_40 = vector.broadcast %div3A_39 : f32 to vector<2000x1xf32>
    %div3A_41 = arith.divf %broadcast_in_dim3A_38, %div3A_40 : vector<2000x1xf32>
    %sub3A_42 = vector.broadcast %div3A_34 : vector<2000x1xf32> to vector<2000x128xf32>
    %sub3A_43 = arith.subf %add3A_25, %sub3A_42 : vector<2000x128xf32>
    %add3A_44 = arith.constant 9.99999974E-6 : f32
    %add3A_45 = vector.broadcast %add3A_44 : f32 to vector<2000x1xf32>
    %add3A_46 = arith.addf %div3A_41, %add3A_45 : vector<2000x1xf32>
    %sqrt3A = math.sqrt %add3A_46 : vector<2000x1xf32>
    %div3A_47 = vector.broadcast %sqrt3A : vector<2000x1xf32> to vector<2000x128xf32>
    %div3A_48 = arith.divf %sub3A_43, %div3A_47 : vector<2000x128xf32>
    %mul3A = vector.broadcast %get3A_28 : vector<1x128xf32> to vector<2000x128xf32>
    %mul3A_49 = arith.mulf %div3A_48, %mul3A : vector<2000x128xf32>
    %add3A_50 = vector.broadcast %get3A_31 : vector<1x128xf32> to vector<2000x128xf32>
    %add3A_51 = arith.addf %mul3A_49, %add3A_50 : vector<2000x128xf32>
    %swap3A = arith.constant 0 : index
    %swap3A_52 = arith.constant 0 : index
    %swap3A_53 = vector.load %arg9[%swap3A, %swap3A_52] : memref<2000x128xf32, #tpu.memory_space<vmem>>, vector<2000x128xf32>
    tpu.vector_store %arg9[%swap3A, %swap3A_52], %add3A_51 {strides = array<i32>} : memref<2000x128xf32, #tpu.memory_space<vmem>>, vector<2000x128xf32>,
    %add3A_54 = arith.addf %add3A_51, %get3A_1 : vector<2000x128xf32>
    %swap3A_55 = arith.constant 0 : index
    %swap3A_56 = arith.constant 0 : index
    %swap3A_57 = vector.load %arg10[%swap3A_55, %swap3A_56] : memref<2000x128xf32, #tpu.memory_space<vmem>>, vector<2000x128xf32>
    tpu.vector_store %arg10[%swap3A_55, %swap3A_56], %add3A_54 {strides = array<i32>} : memref<2000x128xf32, #tpu.memory_space<vmem>>, vector<2000x128xf32>,
    return
  }
  func.func @transform_0(%arg0: i32) -> (i32, i32) {
    %c0_i32 = arith.constant 0 : i32
    %c0_i32_0 = arith.constant 0 : i32
    return %arg0, %c0_i32 : i32, i32
  }
  func.func @transform_1(%arg0: i32) -> (i32, i32) {
    %c0_i32 = arith.constant 0 : i32
    %c0_i32_0 = arith.constant 0 : i32
    return %arg0, %c0_i32 : i32, i32
  }
  func.func @transform_2(%arg0: i32) -> (i32, i32) {
    %c0_i32 = arith.constant 0 : i32
    %c0_i32_0 = arith.constant 0 : i32
    %c0_i32_1 = arith.constant 0 : i32
    return %c0_i32, %c0_i32_0 : i32, i32
  }
  func.func @transform_3(%arg0: i32) -> (i32, i32) {
    %c0_i32 = arith.constant 0 : i32
    %c0_i32_0 = arith.constant 0 : i32
    %c0_i32_1 = arith.constant 0 : i32
    return %c0_i32, %c0_i32_0 : i32, i32
  }
  func.func @transform_4(%arg0: i32) -> (i32, i32) {
    %c0_i32 = arith.constant 0 : i32
    %c0_i32_0 = arith.constant 0 : i32
    %c0_i32_1 = arith.constant 0 : i32
    return %c0_i32, %c0_i32_0 : i32, i32
  }
  func.func @transform_5(%arg0: i32) -> (i32, i32) {
    %c0_i32 = arith.constant 0 : i32
    %c0_i32_0 = arith.constant 0 : i32
    %c0_i32_1 = arith.constant 0 : i32
    return %c0_i32, %c0_i32_0 : i32, i32
  }
  func.func @transform_6(%arg0: i32) -> (i32, i32) {
    %c0_i32 = arith.constant 0 : i32
    %c0_i32_0 = arith.constant 0 : i32
    %c0_i32_1 = arith.constant 0 : i32
    return %c0_i32, %c0_i32_0 : i32, i32
  }
  func.func @transform_7(%arg0: i32) -> (i32, i32) {
    %c0_i32 = arith.constant 0 : i32
    %c0_i32_0 = arith.constant 0 : i32
    %c0_i32_1 = arith.constant 0 : i32
    return %c0_i32, %c0_i32_0 : i32, i32
  }
  func.func @transform_8(%arg0: i32) -> (i32, i32) {
    %c0_i32 = arith.constant 0 : i32
    %c0_i32_0 = arith.constant 0 : i32
    return %arg0, %c0_i32 : i32, i32
  }
  func.func @transform_9(%arg0: i32) -> (i32, i32) {
    %c0_i32 = arith.constant 0 : i32
    %c0_i32_0 = arith.constant 0 : i32
    return %arg0, %c0_i32 : i32, i32
  }
}

module attributes {stable_mosaic.version = 14 : i64} {
  func.func @_proj_body(%arg0: i32, %arg1: memref<2000x128xf32, #tpu.memory_space<vmem>>, %arg2: memref<384x128xf32, #tpu.memory_space<vmem>>, %arg3: memref<2000x128xf32, #tpu.memory_space<vmem>>, %arg4: memref<2000x128xf32, #tpu.memory_space<vmem>>) attributes {dimension_semantics = [#tpu.dimension_semantics<arbitrary>], iteration_bounds = array<i64: 5>, scalar_prefetch = 0 : i64, scratch_operands = 0 : i64, tpu.core_type = #tpu.core_type<tc>, window_params = [{transform_indices = @transform_0, window_bounds = array<i64: 2000, 128>}, {pipeline_mode = #tpu.pipeline_mode<synchronous>, transform_indices = @transform_1, window_bounds = array<i64: 384, 128>}, {transform_indices = @transform_2, window_bounds = array<i64: 2000, 128>}, {transform_indices = @transform_3, window_bounds = array<i64: 2000, 128>}]} {
    %get3A = arith.constant 0 : index
    %get3A_0 = arith.constant 0 : index
    %get3A_1 = vector.load %arg1[%get3A, %get3A_0] : memref<2000x128xf32, #tpu.memory_space<vmem>>, vector<2000x128xf32>
    %get3A_2 = arith.constant 0 : index
    %get3A_3 = arith.constant 0 : index
    %get3A_4 = vector.load %arg2[%get3A_2, %get3A_3] : memref<384x128xf32, #tpu.memory_space<vmem>>, vector<128x128xf32>
    %dot_general3A = arith.constant dense<0.000000e+00> : vector<2000x128xf32>
    %dot_general3A_5 = tpu.matmul %get3A_1, %get3A_4, %dot_general3A {dimension_numbers = #tpu.dot_dimension_numbers<[1], [0], [0], [1], [0, 0, 1, 1], [], []>, transpose_lhs_hint = false} : vector<2000x128xf32>, vector<128x128xf32>, vector<2000x128xf32> -> vector<2000x128xf32>
    %swap3A = arith.constant 0 : index
    %swap3A_6 = arith.constant 0 : index
    %swap3A_7 = vector.load %arg3[%swap3A, %swap3A_6] : memref<2000x128xf32, #tpu.memory_space<vmem>>, vector<2000x128xf32>
    tpu.vector_store %arg3[%swap3A, %swap3A_6], %dot_general3A_5 {strides = array<i32>} : memref<2000x128xf32, #tpu.memory_space<vmem>>, vector<2000x128xf32>,
    %get3A_8 = arith.constant 128 : index
    %get3A_9 = arith.constant 0 : index
    %get3A_10 = vector.load %arg2[%get3A_8, %get3A_9] : memref<384x128xf32, #tpu.memory_space<vmem>>, vector<128x128xf32>
    %dot_general3A_11 = arith.constant dense<0.000000e+00> : vector<2000x128xf32>
    %dot_general3A_12 = tpu.matmul %get3A_1, %get3A_10, %dot_general3A_11 {dimension_numbers = #tpu.dot_dimension_numbers<[1], [0], [0], [1], [0, 0, 1, 1], [], []>, transpose_lhs_hint = false} : vector<2000x128xf32>, vector<128x128xf32>, vector<2000x128xf32> -> vector<2000x128xf32>
    %swap3A_13 = arith.constant 0 : index
    %swap3A_14 = arith.constant 0 : index
    %swap3A_15 = vector.load %arg4[%swap3A_13, %swap3A_14] : memref<2000x128xf32, #tpu.memory_space<vmem>>, vector<2000x128xf32>
    tpu.vector_store %arg4[%swap3A_13, %swap3A_14], %dot_general3A_12 {strides = array<i32>} : memref<2000x128xf32, #tpu.memory_space<vmem>>, vector<2000x128xf32>,
    return
  }
  func.func @transform_0(%arg0: i32) -> (i32, i32) {
    %c0_i32 = arith.constant 0 : i32
    %c0_i32_0 = arith.constant 0 : i32
    return %arg0, %c0_i32 : i32, i32
  }
  func.func @transform_1(%arg0: i32) -> (i32, i32) {
    %c0_i32 = arith.constant 0 : i32
    %c0_i32_0 = arith.constant 0 : i32
    %c0_i32_1 = arith.constant 0 : i32
    return %c0_i32, %c0_i32_0 : i32, i32
  }
  func.func @transform_2(%arg0: i32) -> (i32, i32) {
    %c0_i32 = arith.constant 0 : i32
    %c0_i32_0 = arith.constant 0 : i32
    return %arg0, %c0_i32 : i32, i32
  }
  func.func @transform_3(%arg0: i32) -> (i32, i32) {
    %c0_i32 = arith.constant 0 : i32
    %c0_i32_0 = arith.constant 0 : i32
    return %arg0, %c0_i32 : i32, i32
  }
}

module attributes {stable_mosaic.version = 14 : i64} {
  func.func @_node_body(%arg0: i32, %arg1: memref<2000x128xf32, #tpu.memory_space<vmem>>, %arg2: memref<1x2000x128xf32, #tpu.memory_space<vmem>>, %arg3: memref<1x2000x128xf32, #tpu.memory_space<vmem>>, %arg4: memref<256x128xf32, #tpu.memory_space<vmem>>, %arg5: memref<1x128xf32, #tpu.memory_space<vmem>>, %arg6: memref<128x128xf32, #tpu.memory_space<vmem>>, %arg7: memref<1x128xf32, #tpu.memory_space<vmem>>, %arg8: memref<1x128xf32, #tpu.memory_space<vmem>>, %arg9: memref<1x128xf32, #tpu.memory_space<vmem>>, %arg10: memref<2000x128xf32, #tpu.memory_space<vmem>>) attributes {dimension_semantics = [#tpu.dimension_semantics<arbitrary>], iteration_bounds = array<i64: 5>, scalar_prefetch = 0 : i64, scratch_operands = 0 : i64, tpu.core_type = #tpu.core_type<tc>, window_params = [{transform_indices = @transform_0, window_bounds = array<i64: 2000, 128>}, {transform_indices = @transform_1, window_bounds = array<i64: 1, 2000, 128>}, {transform_indices = @transform_2, window_bounds = array<i64: 1, 2000, 128>}, {pipeline_mode = #tpu.pipeline_mode<synchronous>, transform_indices = @transform_3, window_bounds = array<i64: 256, 128>}, {pipeline_mode = #tpu.pipeline_mode<synchronous>, transform_indices = @transform_4, window_bounds = array<i64: 1, 128>}, {pipeline_mode = #tpu.pipeline_mode<synchronous>, transform_indices = @transform_5, window_bounds = array<i64: 128, 128>}, {pipeline_mode = #tpu.pipeline_mode<synchronous>, transform_indices = @transform_6, window_bounds = array<i64: 1, 128>}, {pipeline_mode = #tpu.pipeline_mode<synchronous>, transform_indices = @transform_7, window_bounds = array<i64: 1, 128>}, {pipeline_mode = #tpu.pipeline_mode<synchronous>, transform_indices = @transform_8, window_bounds = array<i64: 1, 128>}, {transform_indices = @transform_9, window_bounds = array<i64: 2000, 128>}]} {
    %get3A = arith.constant 0 : index
    %get3A_0 = arith.constant 0 : index
    %get3A_1 = vector.load %arg1[%get3A, %get3A_0] : memref<2000x128xf32, #tpu.memory_space<vmem>>, vector<2000x128xf32>
    %get3A_2 = arith.constant 0 : index
    %get3A_3 = arith.constant 0 : index
    %get3A_4 = arith.constant 0 : index
    %get3A_5 = vector.load %arg2[%get3A_2, %get3A_3, %get3A_4] : memref<1x2000x128xf32, #tpu.memory_space<vmem>>, vector<1x2000x128xf32>
    %get3A_6 = vector.shape_cast %get3A_5 : vector<1x2000x128xf32> to vector<2000x128xf32>
    %get3A_7 = arith.constant 0 : index
    %get3A_8 = arith.constant 0 : index
    %get3A_9 = arith.constant 0 : index
    %get3A_10 = vector.load %arg3[%get3A_7, %get3A_8, %get3A_9] : memref<1x2000x128xf32, #tpu.memory_space<vmem>>, vector<1x2000x128xf32>
    %get3A_11 = vector.shape_cast %get3A_10 : vector<1x2000x128xf32> to vector<2000x128xf32>
    %add3A = arith.addf %get3A_6, %get3A_11 : vector<2000x128xf32>
    %get3A_12 = arith.constant 0 : index
    %get3A_13 = arith.constant 0 : index
    %get3A_14 = vector.load %arg4[%get3A_12, %get3A_13] : memref<256x128xf32, #tpu.memory_space<vmem>>, vector<128x128xf32>
    %dot_general3A = arith.constant dense<0.000000e+00> : vector<2000x128xf32>
    %dot_general3A_15 = tpu.matmul %get3A_1, %get3A_14, %dot_general3A {dimension_numbers = #tpu.dot_dimension_numbers<[1], [0], [0], [1], [0, 0, 1, 1], [], []>, transpose_lhs_hint = false} : vector<2000x128xf32>, vector<128x128xf32>, vector<2000x128xf32> -> vector<2000x128xf32>
    %get3A_16 = arith.constant 128 : index
    %get3A_17 = arith.constant 0 : index
    %get3A_18 = vector.load %arg4[%get3A_16, %get3A_17] : memref<256x128xf32, #tpu.memory_space<vmem>>, vector<128x128xf32>
    %dot_general3A_19 = arith.constant dense<0.000000e+00> : vector<2000x128xf32>
    %dot_general3A_20 = tpu.matmul %add3A, %get3A_18, %dot_general3A_19 {dimension_numbers = #tpu.dot_dimension_numbers<[1], [0], [0], [1], [0, 0, 1, 1], [], []>, transpose_lhs_hint = false} : vector<2000x128xf32>, vector<128x128xf32>, vector<2000x128xf32> -> vector<2000x128xf32>
    %add3A_21 = arith.addf %dot_general3A_15, %dot_general3A_20 : vector<2000x128xf32>
    %get3A_22 = arith.constant 0 : index
    %get3A_23 = arith.constant 0 : index
    %get3A_24 = vector.load %arg5[%get3A_22, %get3A_23] : memref<1x128xf32, #tpu.memory_space<vmem>>, vector<1x128xf32>
    %add3A_25 = vector.broadcast %get3A_24 : vector<1x128xf32> to vector<2000x128xf32>
    %add3A_26 = arith.addf %add3A_21, %add3A_25 : vector<2000x128xf32>
    %max3A = arith.constant 0.000000e+00 : f32
    %max3A_27 = vector.broadcast %max3A : f32 to vector<2000x128xf32>
    %max3A_28 = arith.maximumf %add3A_26, %max3A_27 : vector<2000x128xf32>
    %get3A_29 = arith.constant 0 : index
    %get3A_30 = arith.constant 0 : index
    %get3A_31 = vector.load %arg6[%get3A_29, %get3A_30] : memref<128x128xf32, #tpu.memory_space<vmem>>, vector<128x128xf32>
    %dot_general3A_32 = arith.constant dense<0.000000e+00> : vector<2000x128xf32>
    %dot_general3A_33 = tpu.matmul %max3A_28, %get3A_31, %dot_general3A_32 {dimension_numbers = #tpu.dot_dimension_numbers<[1], [0], [0], [1], [0, 0, 1, 1], [], []>, transpose_lhs_hint = false} : vector<2000x128xf32>, vector<128x128xf32>, vector<2000x128xf32> -> vector<2000x128xf32>
    %get3A_34 = arith.constant 0 : index
    %get3A_35 = arith.constant 0 : index
    %get3A_36 = vector.load %arg7[%get3A_34, %get3A_35] : memref<1x128xf32, #tpu.memory_space<vmem>>, vector<1x128xf32>
    %add3A_37 = vector.broadcast %get3A_36 : vector<1x128xf32> to vector<2000x128xf32>
    %add3A_38 = arith.addf %dot_general3A_33, %add3A_37 : vector<2000x128xf32>
    %get3A_39 = arith.constant 0 : index
    %get3A_40 = arith.constant 0 : index
    %get3A_41 = vector.load %arg8[%get3A_39, %get3A_40] : memref<1x128xf32, #tpu.memory_space<vmem>>, vector<1x128xf32>
    %get3A_42 = arith.constant 0 : index
    %get3A_43 = arith.constant 0 : index
    %get3A_44 = vector.load %arg9[%get3A_42, %get3A_43] : memref<1x128xf32, #tpu.memory_space<vmem>>, vector<1x128xf32>
    %reduce_sum3A = arith.constant dense<0.000000e+00> : vector<2000xf32>
    %reduce_sum3A_45 = vector.multi_reduction <add>, %add3A_38, %reduce_sum3A [1] : vector<2000x128xf32> to vector<2000xf32>
    %broadcast_in_dim3A = vector.shape_cast %reduce_sum3A_45 : vector<2000xf32> to vector<2000x1xf32>
    %div3A = arith.constant 1.280000e+02 : f32
    %div3A_46 = vector.broadcast %div3A : f32 to vector<2000x1xf32>
    %div3A_47 = arith.divf %broadcast_in_dim3A, %div3A_46 : vector<2000x1xf32>
    %sub3A = vector.broadcast %div3A_47 : vector<2000x1xf32> to vector<2000x128xf32>
    %sub3A_48 = arith.subf %add3A_38, %sub3A : vector<2000x128xf32>
    %integer_pow3A = arith.mulf %sub3A_48, %sub3A_48 : vector<2000x128xf32>
    %reduce_sum3A_49 = arith.constant dense<0.000000e+00> : vector<2000xf32>
    %reduce_sum3A_50 = vector.multi_reduction <add>, %integer_pow3A, %reduce_sum3A_49 [1] : vector<2000x128xf32> to vector<2000xf32>
    %broadcast_in_dim3A_51 = vector.shape_cast %reduce_sum3A_50 : vector<2000xf32> to vector<2000x1xf32>
    %div3A_52 = arith.constant 1.280000e+02 : f32
    %div3A_53 = vector.broadcast %div3A_52 : f32 to vector<2000x1xf32>
    %div3A_54 = arith.divf %broadcast_in_dim3A_51, %div3A_53 : vector<2000x1xf32>
    %sub3A_55 = vector.broadcast %div3A_47 : vector<2000x1xf32> to vector<2000x128xf32>
    %sub3A_56 = arith.subf %add3A_38, %sub3A_55 : vector<2000x128xf32>
    %add3A_57 = arith.constant 9.99999974E-6 : f32
    %add3A_58 = vector.broadcast %add3A_57 : f32 to vector<2000x1xf32>
    %add3A_59 = arith.addf %div3A_54, %add3A_58 : vector<2000x1xf32>
    %sqrt3A = math.sqrt %add3A_59 : vector<2000x1xf32>
    %div3A_60 = vector.broadcast %sqrt3A : vector<2000x1xf32> to vector<2000x128xf32>
    %div3A_61 = arith.divf %sub3A_56, %div3A_60 : vector<2000x128xf32>
    %mul3A = vector.broadcast %get3A_41 : vector<1x128xf32> to vector<2000x128xf32>
    %mul3A_62 = arith.mulf %div3A_61, %mul3A : vector<2000x128xf32>
    %add3A_63 = vector.broadcast %get3A_44 : vector<1x128xf32> to vector<2000x128xf32>
    %add3A_64 = arith.addf %mul3A_62, %add3A_63 : vector<2000x128xf32>
    %add3A_65 = arith.addf %add3A_64, %get3A_1 : vector<2000x128xf32>
    %swap3A = arith.constant 0 : index
    %swap3A_66 = arith.constant 0 : index
    %swap3A_67 = vector.load %arg10[%swap3A, %swap3A_66] : memref<2000x128xf32, #tpu.memory_space<vmem>>, vector<2000x128xf32>
    tpu.vector_store %arg10[%swap3A, %swap3A_66], %add3A_65 {strides = array<i32>} : memref<2000x128xf32, #tpu.memory_space<vmem>>, vector<2000x128xf32>,
    return
  }
  func.func @transform_0(%arg0: i32) -> (i32, i32) {
    %c0_i32 = arith.constant 0 : i32
    %c0_i32_0 = arith.constant 0 : i32
    return %arg0, %c0_i32 : i32, i32
  }
  func.func @transform_1(%arg0: i32) -> (i32, i32, i32) {
    %c0_i32 = arith.constant 0 : i32
    %c0_i32_0 = arith.constant 0 : i32
    %c0_i32_1 = arith.constant 0 : i32
    return %c0_i32, %arg0, %c0_i32_0 : i32, i32, i32
  }
  func.func @transform_2(%arg0: i32) -> (i32, i32, i32) {
    %c1_i32 = arith.constant 1 : i32
    %c0_i32 = arith.constant 0 : i32
    %c0_i32_0 = arith.constant 0 : i32
    return %c1_i32, %arg0, %c0_i32 : i32, i32, i32
  }
  func.func @transform_3(%arg0: i32) -> (i32, i32) {
    %c0_i32 = arith.constant 0 : i32
    %c0_i32_0 = arith.constant 0 : i32
    %c0_i32_1 = arith.constant 0 : i32
    return %c0_i32, %c0_i32_0 : i32, i32
  }
  func.func @transform_4(%arg0: i32) -> (i32, i32) {
    %c0_i32 = arith.constant 0 : i32
    %c0_i32_0 = arith.constant 0 : i32
    %c0_i32_1 = arith.constant 0 : i32
    return %c0_i32, %c0_i32_0 : i32, i32
  }
  func.func @transform_5(%arg0: i32) -> (i32, i32) {
    %c0_i32 = arith.constant 0 : i32
    %c0_i32_0 = arith.constant 0 : i32
    %c0_i32_1 = arith.constant 0 : i32
    return %c0_i32, %c0_i32_0 : i32, i32
  }
  func.func @transform_6(%arg0: i32) -> (i32, i32) {
    %c0_i32 = arith.constant 0 : i32
    %c0_i32_0 = arith.constant 0 : i32
    %c0_i32_1 = arith.constant 0 : i32
    return %c0_i32, %c0_i32_0 : i32, i32
  }
  func.func @transform_7(%arg0: i32) -> (i32, i32) {
    %c0_i32 = arith.constant 0 : i32
    %c0_i32_0 = arith.constant 0 : i32
    %c0_i32_1 = arith.constant 0 : i32
    return %c0_i32, %c0_i32_0 : i32, i32
  }
  func.func @transform_8(%arg0: i32) -> (i32, i32) {
    %c0_i32 = arith.constant 0 : i32
    %c0_i32_0 = arith.constant 0 : i32
    %c0_i32_1 = arith.constant 0 : i32
    return %c0_i32, %c0_i32_0 : i32, i32
  }
  func.func @transform_9(%arg0: i32) -> (i32, i32) {
    %c0_i32 = arith.constant 0 : i32
    %c0_i32_0 = arith.constant 0 : i32
    return %arg0, %c0_i32 : i32, i32
  }
}

</mosaic_0001>

<sc_bundles>
// kernel: kernel.10.cloned.1.call-start
scs
__scs_entry_jumppad:
0x0: {  	(pc) =	sbr.rel $0x88, $3  }
0x1: {  	(tag) =	ssettag $0x0;
	lr =	simm.s32 $0x1  }
0x2: {  	[smem:$0x3F91] =	sst lr;
	_ =	strace $0xD0000000  }
0x3: {  	_ = 	snop  }
0x4: {  	_ = 	snop  }
0x5: {  	_ = 	snop  }
0x6: {  	_ = 	snop  }
0x7: {  	_ = 	snop  }
__scs_overlays_trampoline_lowered:
0x8: {  	[smem:$0x3FA0] =	sst s0  }
0x9: {  	[smem:$0x3FA1] =	sst s1  }
0xa: {  	[smem:$0x3FA2] =	sst s2  }
0xb: {  	[smem:$0x3FA3] =	sst s3  }
0xc: {  	[smem:$0x3FA4] =	sst s4  }
0xd: {  	[smem:$0x3FA5] =	sst s5  }
0xe: {  	[smem:$0x3FA6] =	sst s6  }
0xf: {  	[smem:$0x3FA7] =	sst s7  }
0x10: {  	[smem:$0x3FA8] =	sst s8  }
0x11: {  	[smem:$0x3FA9] =	sst s9;
	s0 =	simm.s32 @!p0 $0x0  }
0x12: {  	s1 =	sld [smem:$0x3F8F];
	s0 =	simm.s32 @p0 $0x1  }
0x13: {  	[smem:$0x3FAA] =	sst s0;
	s0 =	simm.s32 @!p1 $0x0  }
0x14: {  	s2 =	sld [smem:$0x3F8E];
	s0 =	simm.s32 @p1 $0x1  }
0x15: {  	[smem:$0x3FAB] =	sst s0;
	s0 =	simm.s32 @!p2 $0x0  }
0x16: {  	s3 =	sld [smem:$0x3FDB];
	s0 =	simm.s32 @p2 $0x1  }
0x17: {  	s4 =	simm.s32 $0x1BF5;
	[smem:$0x3FAD] =	sst s0  }
0x18: {  	s0 =	sld [smem:$0x3F90];
	_ =	swait.ge [sflag:s4], $0x0  }
0x19: {  	s7 =	sld [smem:$0x3F91]  }
0x1a: {  	s8 =	sadd.s32 $0xFFFFE003, lr  }
0x1b: {  	s9 =	sadd.s32 $0xFFFFFEF7, lr;
	s5 =	simm.s32 $0xFFFFFFFF;
	p2 =	slt.u32 s8, $0xFFFFF086  }
0x1c: {  	p1 =	slt.u32 s9, $0xF7A;
	s5 =	simm.s32 @!p2 $0x0  }
0x1d: {  	s5 =	simm.s32 @p1 $0x1;
	p0 =	seq.s32 s7, s2  }
0x1e: {  	s7 =	smul.u32 @!p0 $0xF7A, s2;
	p2 =	seq.s32 @!p0 s5, $0x0  }
0x1f: {  	s9 =	smul.u32 $0xF7A, s1;
	s8 =	simm.s32 @!p0 $0x1BF5;
	p2 =	por !p2, p0  }
0x20: {  	[sflag:s8] =	ssyncset.s32 @!p0 $0xFFFFF086;
	s6 =	sadd.s32 @!p0 s3, s7;
	s7 =	simm.s32 @!p0 $0x108  }
0x21: {  	s3 =	sadd.s32 s3, s9;
	s6 =	sadd.s32 @!p0 $0x88, s6;
	s7 =	simm.s32 @p2 $0x1082  }
0x22: {  	[simem:s7], [sflag:s8] =	dma.local @!p0 [hbm:s6], $0xF7A  }
0x23: {  	s9 =	sor.u32 $0xD0000000, s2;
	s6 =	simm.s32 $0x108;
	_ =	swait.ge @!p0 [sflag:s8], $0x0  }
0x24: {  	s3 =	sadd.s32 $0x88, s3;
	s6 =	simm.s32 @!p1 $0x1082;
	[sflag:s4] =	ssyncset.s32 $0xFFFFF086  }
0x25: {  	[simem:s6], [sflag:s4] =	dma.local [hbm:s3], $0xF7A  }
0x26: {  	[smem:$0x3F91] =	sst s1;
	(tag) =	ssettag s2;
	_ =	strace s9  }
0x27: {  	s1 =	sld [smem:$0x3FA1]  }
0x28: {  	s2 =	sld [smem:$0x3FA2]  }
0x29: {  	s4 =	sld [smem:$0x3FA4]  }
0x2a: {  	p0 =	seq.s32 s5, $0x0;
	s5 =	sld [smem:$0x3FA5]  }
0x2b: {  	s6 =	sld [smem:$0x3FA6]  }
0x2c: {  	s7 =	sld [smem:$0x3FA7]  }
0x2d: {  	s3 =	simm.s32 $0x108;
	s8 =	sld [smem:$0x3FA8]  }
0x2e: {  	s3 =	simm.s32 @!p0 $0x1082;
	s9 =	sld [smem:$0x3FA9]  }
0x2f: {  	lr =	sadd.s32 s0, s3;
	s0 =	sld [smem:$0x3FA0]  }
0x30: {  	s3 =	sld [smem:$0x3FA3]  }
0x31: {  	[smem:$0x3FAC] =	sst s10  }
0x32: {  	s10 =	sld [smem:$0x3FAA];
	_ =	sdelay $0x3  }
0x33: {  	p0 =	seq.s32 s10, $0x1;
	s10 =	sld [smem:$0x3FAC];
	_ =	sdelay $0x3  }
0x34: {  	[smem:$0x3FAC] =	sst s10  }
0x35: {  	s10 =	sld [smem:$0x3FAB];
	_ =	sdelay $0x3  }
0x36: {  	p1 =	seq.s32 s10, $0x1;
	s10 =	sld [smem:$0x3FAC];
	_ =	sdelay $0x3  }
0x37: {  	[smem:$0x3FAC] =	sst s10  }
0x38: {  	s10 =	sld [smem:$0x3FAD]  }
0x39: {  	_ = 	snop;
	(pc) =	sbr.ind lr, $3  }
0x3a: {  	_ = 	snop  }
0x3b: {  	_ = 	snop  }
0x3c: {  	p2 =	seq.s32 s10, $0x1;
	s10 =	sld [smem:$0x3FAC]  }
0x3d: {  	_ =	shalt  }
0x3e: {  	_ =	shalt  }
0x3f: {  	_ =	shalt  }
0x40: {  	_ =	shalt  }
0x41: {  	_ =	shalt  }
0x42: {  	_ =	shalt  }
0x43: {  	_ =	shalt  }
0x44: {  	_ =	shalt  }
0x45: {  	_ =	shalt  }
0x46: {  	_ =	shalt  }
0x47: {  	_ =	shalt  }
0x48: {  	_ =	shalt  }
0x49: {  	_ =	shalt  }
0x4a: {  	_ =	shalt  }
0x4b: {  	_ =	shalt  }
0x4c: {  	_ =	shalt  }
0x4d: {  	_ =	shalt  }
0x4e: {  	_ =	shalt  }
0x4f: {  	_ =	shalt  }
0x50: {  	_ =	shalt  }
0x51: {  	_ =	shalt  }
0x52: {  	_ =	shalt  }
0x53: {  	_ =	shalt  }
0x54: {  	_ =	shalt  }
0x55: {  	_ =	shalt  }
0x56: {  	_ =	shalt  }
0x57: {  	_ =	shalt  }
0x58: {  	_ =	shalt  }
0x59: {  	_ =	shalt  }
0x5a: {  	_ =	shalt  }
0x5b: {  	_ =	shalt  }
0x5c: {  	_ =	shalt  }
0x5d: {  	_ =	shalt  }
0x5e: {  	_ =	shalt  }
0x5f: {  	_ =	shalt  }
0x60: {  	_ =	shalt  }
0x61: {  	_ =	shalt  }
0x62: {  	_ =	shalt  }
0x63: {  	_ =	shalt  }
0x64: {  	_ =	shalt  }
0x65: {  	_ =	shalt  }
0x66: {  	_ =	shalt  }
0x67: {  	_ =	shalt  }
0x68: {  	_ =	shalt  }
0x69: {  	_ =	shalt  }
0x6a: {  	_ =	shalt  }
0x6b: {  	_ =	shalt  }
0x6c: {  	_ =	shalt  }
0x6d: {  	_ =	shalt  }
0x6e: {  	_ =	shalt  }
0x6f: {  	_ =	shalt  }
0x70: {  	_ =	shalt  }
0x71: {  	_ =	shalt  }
0x72: {  	_ =	shalt  }
0x73: {  	_ =	shalt  }
0x74: {  	_ =	shalt  }
0x75: {  	_ =	shalt  }
0x76: {  	_ =	shalt  }
0x77: {  	_ =	shalt  }
0x78: {  	_ =	shalt  }
0x79: {  	_ =	shalt  }
0x7a: {  	_ =	shalt  }
0x7b: {  	_ =	shalt  }
0x7c: {  	_ =	shalt  }
0x7d: {  	_ =	shalt  }
0x7e: {  	_ =	shalt  }
0x7f: {  	_ =	shalt  }
0x80: {  	_ =	shalt  }
0x81: {  	_ =	shalt  }
0x82: {  	_ =	shalt  }
0x83: {  	_ =	shalt  }
0x84: {  	_ =	shalt  }
0x85: {  	_ =	shalt  }
0x86: {  	_ =	shalt  }
0x87: {  	_ =	shalt  }
.Lfunc_end0:
.L_simem_size_0:
called_computation.1_lowered:
.L_overlay_start_0:
0x88: {  	s2 =	sld [smem:$0x3FD9]  }
0x89: {  	s3 =	sld [smem:$0x3FFE];
	_ =	sdelay $0x1  }
0x8a: {  	s1 =	srdreg.scid  }
0x8b: {  	s0 =	sand.u32 $0x1, s1  }
0x8c: {  	s14 =	sshll.u32 s0, $0xA;
	s2 =	sadd.s32 s3, s2  }
0x8d: {  	s2 =	sadd.s32 s2, s14  }
0x8e: {  	[smem:$0x3FB8] =	sst s2  }
0x8f: {  	_ = 	snop  }
0x90: {  	s2 =	sld [smem:$0x3FD0];
	_ =	sdelay $0x2  }
0x91: {  	s15 =	simm.s32 $0xA;
	s4 =	simm.s32 $0x10  }
0x92: {  	[smem:s4], [sflag:s15] =	dma.local [hbm:s2], $0x1  }
0x93: {  	_ =	swait.eq [sflag:s15], $0x1  }
0x94: {  	[sflag:s15] =	ssyncset.done $0x0  }
0x95: {  	[sflag:s15] =	ssyncadd.s32 $0xFFFFFFFF  }
0x96: {  	s16 =	sld [smem:$0x10];
	(tm) =	ssettm $0x1  }
0x97: {  	s17 =	sld [smem:$0x3FFB];
	_ =	sdelay $0x3  }
0x98: {  	_ =	strace s17  }
0x99: {  	s3 =	sld [smem:$0x3FFC];
	_ =	sdelay $0x3  }
0x9a: {  	_ =	strace s3  }
0x9b: {  	s3 =	sld [smem:$0x3FFD];
	_ =	sdelay $0x3  }
0x9c: {  	_ =	strace s3  }
0x9d: {  	_ =	strace $0x8FFFFFFF  }
0x9e: {  	s18 =	sld [smem:$0x3FDB];
	_ =	sdelay $0x1  }
0x9f: {  	s19 =	simm.s32 $_scs_section_size  }
0xa0: {  	s5 =	simm.s32 $_size__tile_overlayer_lowered;
	s6 =	simm.s32 $_tile_overlayer_lowered  }
0xa1: {  	s22 =	simm.s32 $0x1BFF;
	s21 =	sshll.u32 s6, $0x1;
	s3 =	sadd.s32 s19, s18  }
0xa2: {  	s7 =	simm.s32 $0x0;
	s20 =	sshll.u32 s5, $0x1;
	s5 =	sadd.s32 s21, s3  }
0xa3: {  	[timem:s7], [sflag:s22] =	dma.local [hbm:s5], s20  }
0xa4: {  	_ =	swait.ge [sflag:s22], s20  }
0xa5: {  	s4 =	ssub.s32 $0x0, s20;
	[sflag:s22] =	ssyncset.done $0x0  }
0xa6: {  	[sflag:s22] =	ssyncadd.s32 s4;
	_ =	sdelay $0x1  }
0xa7: {  	s23 =	simm.s32 $0x1B8B  }
0xa8: {  	_ =	swait.ge [sflag:s23], $0x1  }
0xa9: {  	[sflag:s23] =	ssyncset.done $0x0  }
0xaa: {  	s25 =	simm.s32 $0x1B8E;
	s24 =	sld [smem:$0x3FFE];
	[sflag:s23] =	ssyncadd.s32 $0xFFFFFFFF  }
0xab: {  	s26 =	simm.s32 $execute0_lowered;
	[smem:$0x3FD2] =	sst s25  }
0xac: {  	s5 =	sshll.u32 s26, $0x1;
	_ =	strace $0x80000049;
	[dreg:$0x1] =	wrdreg $0xFFFFFFFF  }
0xad: {  	s28 =	simm.s32 $_size_execute0_lowered;
	s3 =	sadd.s32 s3, s5;
	[dreg:$0x0] =	wrdreg $0x0  }
0xae: {  	s5 =	sshll.u32 s28, $0x1;
	[dreg:$0x2] =	wrdreg s3  }
0xaf: {  	[dreg:$0x3] =	wrdreg s5  }
0xb0: {  	[dreg:$0x4] =	wrdreg $0xC0  }
0xb1: {  	_ =	task [dreg:s7], $0x5FFFF  }
0xb2: {  	[dreg:$0x1] =	wrdreg $0xFFFFFFFF  }
0xb3: {  	[dreg:$0x0] =	wrdreg $0x60  }
0xb4: {  	[dreg:$0x2] =	wrdreg s24  }
0xb5: {  	[dreg:$0x3] =	wrdreg s16  }
0xb6: {  	[dreg:$0x4] =	wrdreg $0x90000  }
0xb7: {  	[dreg:$0x5] =	wrdreg $0x9  }
0xb8: {  	_ =	task.clear_ibuf [dreg:s7], $0x6FFFF;
	_ =	strace $0x90000049  }
0xb9: {  	s29 =	simm.s32 $0x9;
	_ =	strace $0x8000004B  }
0xba: {  	_ =	swait.ge [sflag:s29], $0x1  }
0xbb: {  	[sflag:s29] =	ssyncadd.s32 $0xFFFFFFFF  }
0xbc: {  	_ =	strace $0x9000004B  }
0xbd: {  	_ =	sfence  }
0xbe: {  	s30 =	sld [smem:$0x0];
	_ =	sdelay $0x2  }
0xbf: {  	s31 =	sshll.u32 s1, $0xD;
	s1 =	sshrl.u32 s1, $0x2  }
0xc0: {  	s3 =	sand.u32 $0x4000, s31;
	s1 =	sadd.s32 s1, s30  }
0xc1: {  	s0 =	sor.u32 s3, s0;
	s1 =	sshll.u32 s1, $0x11  }
0xc2: {  	s0 =	sor.u32 s1, s0  }
0xc3: {  	s0 =	sadd.s32 $0x8F2B, s0  }
0xc4: {  	[sflag:s0] =	ssyncadd.remote.s32 $0x1  }
0xc5: {  	_ =	sfence.sel $0xFFFF  }
0xc6: {  	[dreg:$0x0] =	wrdreg $0xFFFFFFFF;
	(pc) =	sbr.abs _section_cstart, $3  }
0xc7: {  	[dreg:$0x1] =	wrdreg $0xFFFFFFFF  }
0xc8: {  	_ =	task.clear_ibuf [dreg:s7], $0x2FFFF;
	_ =	strace $0x9FFFFFFF  }
0xc9: {  	(tm) =	ssettm $0x7FFFFFFF  }
tec
execute0_lowered:
.L_overlay_start_1:
0x0: {  	(tag) =	ssettag $0x1  }
0x1: {  	s5 =	rddreg [dreg:$0x0]  }
0x2: {  	s1 =	rddreg [dreg:$0x1]  }
0x3: {  	s2 =	rddreg [dreg:$0x2]  }
0x4: {  	s0 =	rddreg [dreg:$0x3]  }
0x5: {  	s3 =	simm.s32 $0x0;
	s6 =	srdreg.scid;
	s4 =	stileid.u32  }
0x6: {  	s14 =	simm.s32 $0x50;
	s15 =	simm.s32 $0x2;
	s16 =	simm.s32 $0x3E00  }
0x7: {  	[smem:$0x7FF] =	sst s3;
	s6 =	sand.u32 $0x1, s6;
	s12 =	smul.u32 $0x4E000, s4  }
0x8: {  	s7 =	sshll.u32 s4, $0x1;
	s8 =	sadd.s32 $0x505000, s5;
	s31 =	smul.u32 $0x4E200, s4  }
0x9: {  	s21 =	smul.u32 $0x2700, s4;
	s18 =	sadd.s32 $0x124800, s2;
	p0 =	sne.s32 s4, $0x0  }
0xa: {  	p1 =	seq.s32 s4, $0xF;
	_ =	strace $0x8000004A;
	s7 =	sor.u32 s6, s7  }
0xb: {  	s10 =	smul.u32 $0x27100, s6;
	s6 =	ssub.s32 $0x2, s6;
	s18 =	sshrl.u32 @p1 s18, $0x3  }
0xc: {  	s9 =	sshll.u32 s7, $0xB;
	s11 =	sshrl.u32 s6, $0x1;
	s29 =	smul.u32 $0x27100, s7  }
0xd: {  	s30 =	sshrl.u32 s12, $0x2;
	s12 =	simm.s32 $0x1;
	s9 =	sadd.s32 s9, s5  }
0xe: {  	s13 =	sadd.s32 s10, s5;
	s11 =	ssub.s32 s6, s11;
	s20 =	sadd.s32 s30, s2  }
0xf: {  	s5 =	sadd.s32 $0x3000, s9;
	s6 =	sadd.s32 s8, s29;
	s19 =	sadd.s32 $0x13000, s13  }
0x10: {  	s8 =	sadd.s32 s31, s8;
	s7 =	smax.u32 s11, $0x1;
	s9 =	sshrl.u32 @!p0 s2, $0x3  }
0x11: {  	s11 =	simm.s32 $0x4000;
	s13 =	simm.s32 $0x6800;
	s20 =	sshrl.u32 @!p1 s20, $0x3  }
0x12: {  	s8 =	sadd.s32 s10, s8;
	s10 =	simm.s32 $0x3;
	s17 =	sadd.s32 @p1 $0x24900, s19  }
0x13: {  	s19 =	sadd.s32 @!p1 s21, s19;
	s21 =	simm.s32 $0x0;
	s8 =	sadd.s32 $0xA00, s8  }
.LBB2_1:
0x14: {  	s22 =	simm.s32 @!p0 $0x1C03  }
0x15: {  	[spmem:s9], [sflag:s22] =	dma.local @!p0 [hbm:s1], $0x27100  }
0x16: {  	s22 =	simm.s32 @!p0 $0x3  }
0x17: {  	_ =	swait.ge @!p0 [sflag:s22], $0x27100  }
0x18: {  	[sflag:s22] =	ssyncset.done @!p0 $0x0  }
0x19: {  	[sflag:s22] =	ssyncadd.s32 @!p0 $0xFFFD8F00  }
0x1a: {  	[bflag:$0x0] =	sbarrier.arrive $0xFFFF  }
0x1b: {  	[tilespmem:s3], [sflag:$0x3] =	stream.linear.gather [hbm4b:s5+s3], $0x3E80, $0x38;
	[tilespmem:$0x1C880] =	vst v63  }
0x1c: {  	_ =	swait.ge [sflag:s10], $0x3E80  }
0x1d: {  	[sflag:s10] =	ssyncset.done $0x0  }
0x1e: {  	[sflag:s10] =	ssyncadd.s32 $0xFFFFC180  }
0x1f: {  	[tilespmem:s11], [sflag:$0x1] =	stream.linear.gather [hbm4b:s6+s3], $0x2800, $0x38;
	[tilespmem:$0x1C880] =	vst v63  }
0x20: {  	_ =	swait.ge [sflag:s12], $0x2800  }
0x21: {  	[sflag:s12] =	ssyncset.done $0x0  }
0x22: {  	s29 =	sadd.s32 $0xFFFFFB00, s8;
	[sflag:s12] =	ssyncadd.s32 $0xFFFFD800  }
0x23: {  	[tilespmem:s13], [sflag:$0x2] =	stream.linear.gather [hbm4b:s29+s3], $0x2800, $0x38;
	[tilespmem:$0x1C880] =	vst v63  }
0x24: {  	s30 =	simm.s32 $0x0  }
0x25: {  	[spmem:s2] =	stream.indirect.scatter.add.f32 [tilespmem:s11], [sflag:$0x3], $0x80, s30, s14, $0xb8;
	[tilespmem:$0x1C880] =	vst v63  }
0x26: {  	_ =	swait.ge [sflag:s10], $0x2800  }
0x27: {  	[sflag:s10] =	ssyncset.done $0x0  }
0x28: {  	[sflag:s10] =	ssyncadd.s32 $0xFFFFD800  }
0x29: {  	_ =	swait.ge [sflag:s15], $0x2800  }
0x2a: {  	[sflag:s15] =	ssyncset.done $0x0  }
0x2b: {  	[sflag:s15] =	ssyncadd.s32 $0xFFFFD800  }
0x2c: {  	[tilespmem:s11], [sflag:$0x1] =	stream.linear.gather [hbm4b:s8+s3], $0x2800, $0x38;
	[tilespmem:$0x1C880] =	vst v63  }
0x2d: {  	s31 =	simm.s32 $0x80  }
0x2e: {  	[spmem:s2] =	stream.indirect.scatter.add.f32 [tilespmem:s13], [sflag:$0x3], $0x80, s31, s14, $0xb8;
	[tilespmem:$0x1C880] =	vst v63  }
0x2f: {  	_ =	swait.ge [sflag:s10], $0x2800  }
0x30: {  	s23 =	smov.u32 s8;
	s22 =	simm.s32 $0x400;
	[sflag:s10] =	ssyncset.done $0x0  }
.LBB2_2:
0x31: {  	p2 =	sne.s32 s22, $0xF400;
	[sflag:s10] =	ssyncadd.s32 $0xFFFFD800;
	s23 =	sadd.s32 $0xA00, s23  }
0x32: {  	s24 =	smov.u32 s22;
	s22 =	sadd.s32 $0x400, s22  }
0x33: {  	_ =	swait.ge [sflag:s12], $0x2800  }
0x34: {  	[sflag:s12] =	ssyncset.done $0x0  }
0x35: {  	s25 =	sadd.s32 $0xFFFFFB00, s23;
	[sflag:s12] =	ssyncadd.s32 $0xFFFFD800  }
0x36: {  	[tilespmem:s13], [sflag:$0x2] =	stream.linear.gather [hbm4b:s25+s3], $0x2800, $0x38;
	[tilespmem:$0x1C880] =	vst v63  }
0x37: {  	s24 =	sshra.s32 s24, $0x2  }
0x38: {  	[spmem:s2] =	stream.indirect.scatter.add.f32 [tilespmem:s11], [sflag:$0x3], $0x80, s24, s14, $0xb8;
	[tilespmem:$0x1C880] =	vst v63  }
0x39: {  	_ =	swait.ge [sflag:s10], $0x2800  }
0x3a: {  	[sflag:s10] =	ssyncset.done $0x0  }
0x3b: {  	[sflag:s10] =	ssyncadd.s32 $0xFFFFD800  }
0x3c: {  	_ =	swait.ge [sflag:s15], $0x2800  }
0x3d: {  	[sflag:s15] =	ssyncset.done $0x0  }
0x3e: {  	[sflag:s15] =	ssyncadd.s32 $0xFFFFD800  }
0x3f: {  	[tilespmem:s11], [sflag:$0x1] =	stream.linear.gather [hbm4b:s23+s3], $0x2800, $0x38;
	[tilespmem:$0x1C880] =	vst v63  }
.Ltmp0:
0x40: {  	_ = 	snop;
	(pc) =	sbr.rel @p2 .LBB2_2-.Ltmp0, $4  }
0x41: {  	s24 =	sadd.s32 $0x80, s24  }
0x42: {  	[spmem:s2] =	stream.indirect.scatter.add.f32 [tilespmem:s13], [sflag:$0x3], $0x80, s24, s14, $0xb8;
	[tilespmem:$0x1C880] =	vst v63  }
0x43: {  	_ =	swait.ge [sflag:s10], $0x2800  }
0x44: {  	[sflag:s10] =	ssyncset.done $0x0  }
0x45: {  	[sflag:s10] =	ssyncadd.s32 $0xFFFFD800  }
0x46: {  	_ =	swait.ge [sflag:s12], $0x2800  }
0x47: {  	[sflag:s12] =	ssyncset.done $0x0  }
0x48: {  	[sflag:s12] =	ssyncadd.s32 $0xFFFFD800  }
0x49: {  	[spmem:s2] =	stream.indirect.scatter.add.f32 [tilespmem:s11], [sflag:$0x3], $0x80, s16, s14, $0xb8;
	[tilespmem:$0x1C880] =	vst v63  }
0x4a: {  	_ =	swait.ge [sflag:s10], $0x2800  }
0x4b: {  	[sflag:s10] =	ssyncset.done $0x0  }
0x4c: {  	[sflag:s10] =	ssyncadd.s32 $0xFFFFD800  }
0x4d: {  	s22 =	simm.s32 @p1 $0x1FC3;
	[bflag:$0x0] =	sbarrier.arrive $0xFFFF  }
0x4e: {  	[hbm:s17], [sflag:s22] =	dma.local @p1 [spmem:s18], $0x2800  }
0x4f: {  	s22 =	simm.s32 @p1 $0x3  }
0x50: {  	_ =	swait.ge @p1 [sflag:s22], $0x2800  }
0x51: {  	s23 =	sshll.u32 @!p1 s4, $0x6;
	s21 =	sadd.s32 $0x1, s21;
	[sflag:s22] =	ssyncset.done @p1 $0x0  }
0x52: {  	p2 =	sne.s32 s21, s7;
	[sflag:s22] =	ssyncadd.s32 @p1 $0xFFFFD800;
	s22 =	sor.u32 @!p1 $0x1C03, s23  }
0x53: {  	[hbm:s19], [sflag:s22] =	dma.local @!p1 [spmem:s20], $0x2700  }
.Ltmp1:
0x54: {  	_ = 	snop;
	(pc) =	sbr.rel @p2 .LBB2_1-.Ltmp1, $4  }
0x55: {  	s22 =	simm.s32 @!p1 $0x3  }
0x56: {  	_ =	swait.ge @!p1 [sflag:s22], $0x2700  }
0x57: {  	[sflag:s22] =	ssyncset.done @!p1 $0x0  }
0x58: {  	[sflag:s22] =	ssyncadd.s32 @!p1 $0xFFFFD900  }
0x59: {  	_ =	sfence.sel $0x180000  }
0x5a: {  	[bflag:$0x0] =	sbarrier.arrive $0xFFFF  }
0x5b: {  	_ =	strace $0x9000004A  }
0x5c: {  	s0 =	sadd.s32 @!p0 $0x100000, s0;
	[bflag:$0x2] =	sbarrier.arrive $0xFFFF  }
0x5d: {  	[sflag:s0] =	ssyncadd.tile.s32 @!p0 $0x1;
	_ =	shalt  }
.Lfunc_end2:
_tile_overlayer_lowered:
.L_overlay_start_2:
0x5e: {  	(tag) =	ssettag $0x2  }
0x5f: {  	s0 =	rddreg [dreg:$0x0];
	s2 =	stileid.u32  }
0x60: {  	s1 =	rddreg [dreg:$0x1];
	p0 =	sne.s32 s2, $0x0  }
0x61: {  	s3 =	rddreg [dreg:$0x2];
	[bflag:$0x3] =	sbarrier.arrive $0xFFFF;
	s2 =	simm.s32 @!p0 $0x1C03  }
0x62: {  	[timem:s3], [sflag:s2] =	dma.local @!p0 [hbm:s0], s1  }
0x63: {  	s0 =	simm.s32 @!p0 $0x3  }
0x64: {  	_ =	swait.ge @!p0 [sflag:s0], s1  }
0x65: {  	s1 =	ssub.s32 @!p0 $0x0, s1;
	[sflag:s0] =	ssyncset.done @!p0 $0x0  }
0x66: {  	[sflag:s0] =	ssyncadd.s32 @!p0 s1  }
0x67: {  	[bflag:$0x3] =	sbarrier.arrive $0xFFFF  }
0x68: {  	_ =	shalt  }

// kernel: kernel.7.cloned.1.call-start
scs
__scs_entry_jumppad:
0x0: {  	(pc) =	sbr.rel $0x88, $3  }
0x1: {  	(tag) =	ssettag $0x0;
	lr =	simm.s32 $0x1  }
0x2: {  	[smem:$0x3F91] =	sst lr;
	_ =	strace $0xD0000000  }
0x3: {  	_ = 	snop  }
0x4: {  	_ = 	snop  }
0x5: {  	_ = 	snop  }
0x6: {  	_ = 	snop  }
0x7: {  	_ = 	snop  }
__scs_overlays_trampoline_lowered:
0x8: {  	[smem:$0x3FA0] =	sst s0  }
0x9: {  	[smem:$0x3FA1] =	sst s1  }
0xa: {  	[smem:$0x3FA2] =	sst s2  }
0xb: {  	[smem:$0x3FA3] =	sst s3  }
0xc: {  	[smem:$0x3FA4] =	sst s4  }
0xd: {  	[smem:$0x3FA5] =	sst s5  }
0xe: {  	[smem:$0x3FA6] =	sst s6  }
0xf: {  	[smem:$0x3FA7] =	sst s7  }
0x10: {  	[smem:$0x3FA8] =	sst s8  }
0x11: {  	[smem:$0x3FA9] =	sst s9;
	s0 =	simm.s32 @!p0 $0x0  }
0x12: {  	s1 =	sld [smem:$0x3F8F];
	s0 =	simm.s32 @p0 $0x1  }
0x13: {  	[smem:$0x3FAA] =	sst s0;
	s0 =	simm.s32 @!p1 $0x0  }
0x14: {  	s2 =	sld [smem:$0x3F8E];
	s0 =	simm.s32 @p1 $0x1  }
0x15: {  	[smem:$0x3FAB] =	sst s0;
	s0 =	simm.s32 @!p2 $0x0  }
0x16: {  	s3 =	sld [smem:$0x3FDB];
	s0 =	simm.s32 @p2 $0x1  }
0x17: {  	s4 =	simm.s32 $0x1BF5;
	[smem:$0x3FAD] =	sst s0  }
0x18: {  	s0 =	sld [smem:$0x3F90];
	_ =	swait.ge [sflag:s4], $0x0  }
0x19: {  	s7 =	sld [smem:$0x3F91]  }
0x1a: {  	s8 =	sadd.s32 $0xFFFFE003, lr  }
0x1b: {  	s9 =	sadd.s32 $0xFFFFFEF7, lr;
	s5 =	simm.s32 $0xFFFFFFFF;
	p2 =	slt.u32 s8, $0xFFFFF086  }
0x1c: {  	p1 =	slt.u32 s9, $0xF7A;
	s5 =	simm.s32 @!p2 $0x0  }
0x1d: {  	s5 =	simm.s32 @p1 $0x1;
	p0 =	seq.s32 s7, s2  }
0x1e: {  	s7 =	smul.u32 @!p0 $0xF7A, s2;
	p2 =	seq.s32 @!p0 s5, $0x0  }
0x1f: {  	s9 =	smul.u32 $0xF7A, s1;
	s8 =	simm.s32 @!p0 $0x1BF5;
	p2 =	por !p2, p0  }
0x20: {  	[sflag:s8] =	ssyncset.s32 @!p0 $0xFFFFF086;
	s6 =	sadd.s32 @!p0 s3, s7;
	s7 =	simm.s32 @!p0 $0x108  }
0x21: {  	s3 =	sadd.s32 s3, s9;
	s6 =	sadd.s32 @!p0 $0x88, s6;
	s7 =	simm.s32 @p2 $0x1082  }
0x22: {  	[simem:s7], [sflag:s8] =	dma.local @!p0 [hbm:s6], $0xF7A  }
0x23: {  	s9 =	sor.u32 $0xD0000000, s2;
	s6 =	simm.s32 $0x108;
	_ =	swait.ge @!p0 [sflag:s8], $0x0  }
0x24: {  	s3 =	sadd.s32 $0x88, s3;
	s6 =	simm.s32 @!p1 $0x1082;
	[sflag:s4] =	ssyncset.s32 $0xFFFFF086  }
0x25: {  	[simem:s6], [sflag:s4] =	dma.local [hbm:s3], $0xF7A  }
0x26: {  	[smem:$0x3F91] =	sst s1;
	(tag) =	ssettag s2;
	_ =	strace s9  }
0x27: {  	s1 =	sld [smem:$0x3FA1]  }
0x28: {  	s2 =	sld [smem:$0x3FA2]  }
0x29: {  	s4 =	sld [smem:$0x3FA4]  }
0x2a: {  	p0 =	seq.s32 s5, $0x0;
	s5 =	sld [smem:$0x3FA5]  }
0x2b: {  	s6 =	sld [smem:$0x3FA6]  }
0x2c: {  	s7 =	sld [smem:$0x3FA7]  }
0x2d: {  	s3 =	simm.s32 $0x108;
	s8 =	sld [smem:$0x3FA8]  }
0x2e: {  	s3 =	simm.s32 @!p0 $0x1082;
	s9 =	sld [smem:$0x3FA9]  }
0x2f: {  	lr =	sadd.s32 s0, s3;
	s0 =	sld [smem:$0x3FA0]  }
0x30: {  	s3 =	sld [smem:$0x3FA3]  }
0x31: {  	[smem:$0x3FAC] =	sst s10  }
0x32: {  	s10 =	sld [smem:$0x3FAA];
	_ =	sdelay $0x3  }
0x33: {  	p0 =	seq.s32 s10, $0x1;
	s10 =	sld [smem:$0x3FAC];
	_ =	sdelay $0x3  }
0x34: {  	[smem:$0x3FAC] =	sst s10  }
0x35: {  	s10 =	sld [smem:$0x3FAB];
	_ =	sdelay $0x3  }
0x36: {  	p1 =	seq.s32 s10, $0x1;
	s10 =	sld [smem:$0x3FAC];
	_ =	sdelay $0x3  }
0x37: {  	[smem:$0x3FAC] =	sst s10  }
0x38: {  	s10 =	sld [smem:$0x3FAD]  }
0x39: {  	_ = 	snop;
	(pc) =	sbr.ind lr, $3  }
0x3a: {  	_ = 	snop  }
0x3b: {  	_ = 	snop  }
0x3c: {  	p2 =	seq.s32 s10, $0x1;
	s10 =	sld [smem:$0x3FAC]  }
0x3d: {  	_ =	shalt  }
0x3e: {  	_ =	shalt  }
0x3f: {  	_ =	shalt  }
0x40: {  	_ =	shalt  }
0x41: {  	_ =	shalt  }
0x42: {  	_ =	shalt  }
0x43: {  	_ =	shalt  }
0x44: {  	_ =	shalt  }
0x45: {  	_ =	shalt  }
0x46: {  	_ =	shalt  }
0x47: {  	_ =	shalt  }
0x48: {  	_ =	shalt  }
0x49: {  	_ =	shalt  }
0x4a: {  	_ =	shalt  }
0x4b: {  	_ =	shalt  }
0x4c: {  	_ =	shalt  }
0x4d: {  	_ =	shalt  }
0x4e: {  	_ =	shalt  }
0x4f: {  	_ =	shalt  }
0x50: {  	_ =	shalt  }
0x51: {  	_ =	shalt  }
0x52: {  	_ =	shalt  }
0x53: {  	_ =	shalt  }
0x54: {  	_ =	shalt  }
0x55: {  	_ =	shalt  }
0x56: {  	_ =	shalt  }
0x57: {  	_ =	shalt  }
0x58: {  	_ =	shalt  }
0x59: {  	_ =	shalt  }
0x5a: {  	_ =	shalt  }
0x5b: {  	_ =	shalt  }
0x5c: {  	_ =	shalt  }
0x5d: {  	_ =	shalt  }
0x5e: {  	_ =	shalt  }
0x5f: {  	_ =	shalt  }
0x60: {  	_ =	shalt  }
0x61: {  	_ =	shalt  }
0x62: {  	_ =	shalt  }
0x63: {  	_ =	shalt  }
0x64: {  	_ =	shalt  }
0x65: {  	_ =	shalt  }
0x66: {  	_ =	shalt  }
0x67: {  	_ =	shalt  }
0x68: {  	_ =	shalt  }
0x69: {  	_ =	shalt  }
0x6a: {  	_ =	shalt  }
0x6b: {  	_ =	shalt  }
0x6c: {  	_ =	shalt  }
0x6d: {  	_ =	shalt  }
0x6e: {  	_ =	shalt  }
0x6f: {  	_ =	shalt  }
0x70: {  	_ =	shalt  }
0x71: {  	_ =	shalt  }
0x72: {  	_ =	shalt  }
0x73: {  	_ =	shalt  }
0x74: {  	_ =	shalt  }
0x75: {  	_ =	shalt  }
0x76: {  	_ =	shalt  }
0x77: {  	_ =	shalt  }
0x78: {  	_ =	shalt  }
0x79: {  	_ =	shalt  }
0x7a: {  	_ =	shalt  }
0x7b: {  	_ =	shalt  }
0x7c: {  	_ =	shalt  }
0x7d: {  	_ =	shalt  }
0x7e: {  	_ =	shalt  }
0x7f: {  	_ =	shalt  }
0x80: {  	_ =	shalt  }
0x81: {  	_ =	shalt  }
0x82: {  	_ =	shalt  }
0x83: {  	_ =	shalt  }
0x84: {  	_ =	shalt  }
0x85: {  	_ =	shalt  }
0x86: {  	_ =	shalt  }
0x87: {  	_ =	shalt  }
.Lfunc_end0:
.L_simem_size_0:
called_computation_lowered:
.L_overlay_start_0:
0x88: {  	s2 =	sld [smem:$0x3FD9]  }
0x89: {  	s3 =	sld [smem:$0x3FFE];
	_ =	sdelay $0x1  }
0x8a: {  	s1 =	srdreg.scid  }
0x8b: {  	s0 =	sand.u32 $0x1, s1  }
0x8c: {  	s14 =	sshll.u32 s0, $0xA;
	s2 =	sadd.s32 s3, s2  }
0x8d: {  	s2 =	sadd.s32 s2, s14  }
0x8e: {  	[smem:$0x3FB8] =	sst s2  }
0x8f: {  	_ = 	snop  }
0x90: {  	s2 =	sld [smem:$0x3FD0];
	_ =	sdelay $0x2  }
0x91: {  	s15 =	simm.s32 $0xA;
	s4 =	simm.s32 $0x10  }
0x92: {  	[smem:s4], [sflag:s15] =	dma.local [hbm:s2], $0x1  }
0x93: {  	_ =	swait.eq [sflag:s15], $0x1  }
0x94: {  	[sflag:s15] =	ssyncset.done $0x0  }
0x95: {  	s16 =	sld [smem:$0x10];
	[sflag:s15] =	ssyncadd.s32 $0xFFFFFFFF  }
0x96: {  	s17 =	sld [smem:$0x11];
	(tm) =	ssettm $0x1  }
0x97: {  	s18 =	sld [smem:$0x3FFB];
	_ =	sdelay $0x3  }
0x98: {  	_ =	strace s18  }
0x99: {  	s4 =	sld [smem:$0x3FFC];
	_ =	sdelay $0x3  }
0x9a: {  	_ =	strace s4  }
0x9b: {  	s4 =	sld [smem:$0x3FFD];
	_ =	sdelay $0x3  }
0x9c: {  	_ =	strace s4  }
0x9d: {  	_ =	strace $0x8FFFFFFF  }
0x9e: {  	s19 =	sld [smem:$0x3FDB];
	_ =	sdelay $0x1  }
0x9f: {  	s5 =	simm.s32 $_scs_section_size  }
0xa0: {  	s6 =	simm.s32 $_size__tile_overlayer_lowered;
	s7 =	simm.s32 $_tile_overlayer_lowered  }
0xa1: {  	s22 =	simm.s32 $0x1BFF;
	s21 =	sshll.u32 s7, $0x1;
	s4 =	sadd.s32 s5, s19  }
0xa2: {  	s8 =	simm.s32 $0x0;
	s20 =	sshll.u32 s6, $0x1;
	s6 =	sadd.s32 s21, s4  }
0xa3: {  	[timem:s8], [sflag:s22] =	dma.local [hbm:s6], s20  }
0xa4: {  	_ =	swait.ge [sflag:s22], s20  }
0xa5: {  	s5 =	ssub.s32 $0x0, s20;
	[sflag:s22] =	ssyncset.done $0x0  }
0xa6: {  	[sflag:s22] =	ssyncadd.s32 s5;
	_ =	sdelay $0x1  }
0xa7: {  	s23 =	simm.s32 $0x1B8B  }
0xa8: {  	_ =	swait.ge [sflag:s23], $0x1  }
0xa9: {  	[sflag:s23] =	ssyncset.done $0x0  }
0xaa: {  	s25 =	simm.s32 $0x1B8E;
	s24 =	sld [smem:$0x3FFE];
	[sflag:s23] =	ssyncadd.s32 $0xFFFFFFFF  }
0xab: {  	s26 =	simm.s32 $execute0_lowered;
	[smem:$0x3FD2] =	sst s25  }
0xac: {  	s6 =	sshll.u32 s26, $0x1;
	_ =	strace $0x80000046;
	[dreg:$0x1] =	wrdreg $0xFFFFFFFF  }
0xad: {  	s28 =	simm.s32 $_size_execute0_lowered;
	s4 =	sadd.s32 s4, s6;
	[dreg:$0x0] =	wrdreg $0x0  }
0xae: {  	s6 =	sshll.u32 s28, $0x1;
	[dreg:$0x2] =	wrdreg s4  }
0xaf: {  	[dreg:$0x3] =	wrdreg s6  }
0xb0: {  	[dreg:$0x4] =	wrdreg $0xC0  }
0xb1: {  	_ =	task [dreg:s8], $0x5FFFF  }
0xb2: {  	[dreg:$0x1] =	wrdreg $0xFFFFFFFF  }
0xb3: {  	[dreg:$0x0] =	wrdreg $0x60  }
0xb4: {  	[dreg:$0x2] =	wrdreg s16  }
0xb5: {  	[dreg:$0x3] =	wrdreg s17  }
0xb6: {  	[dreg:$0x4] =	wrdreg s24  }
0xb7: {  	[dreg:$0x5] =	wrdreg $0x9  }
0xb8: {  	_ =	task.clear_ibuf [dreg:s8], $0x6FFFF;
	_ =	strace $0x90000046  }
0xb9: {  	s29 =	simm.s32 $0x9;
	_ =	strace $0x80000048  }
0xba: {  	_ =	swait.ge [sflag:s29], $0x1  }
0xbb: {  	[sflag:s29] =	ssyncadd.s32 $0xFFFFFFFF  }
0xbc: {  	_ =	strace $0x90000048  }
0xbd: {  	_ =	sfence  }
0xbe: {  	s30 =	sld [smem:$0x0];
	_ =	sdelay $0x2  }
0xbf: {  	s31 =	sshll.u32 s1, $0xD;
	s1 =	sshrl.u32 s1, $0x2  }
0xc0: {  	s3 =	sand.u32 $0x4000, s31;
	s1 =	sadd.s32 s1, s30  }
0xc1: {  	s0 =	sor.u32 s3, s0;
	s1 =	sshll.u32 s1, $0x11  }
0xc2: {  	s0 =	sor.u32 s1, s0  }
0xc3: {  	s0 =	sadd.s32 $0x8F2B, s0  }
0xc4: {  	[sflag:s0] =	ssyncadd.remote.s32 $0x1  }
0xc5: {  	_ =	sfence.sel $0xFFFF  }
0xc6: {  	[dreg:$0x0] =	wrdreg $0xFFFFFFFF;
	(pc) =	sbr.abs _section_cstart, $3  }
0xc7: {  	[dreg:$0x1] =	wrdreg $0xFFFFFFFF  }
0xc8: {  	_ =	task.clear_ibuf [dreg:s8], $0x2FFFF;
	_ =	strace $0x9FFFFFFF  }
0xc9: {  	(tm) =	ssettm $0x7FFFFFFF  }
tec
execute0_lowered:
.L_overlay_start_1:
0x0: {  	(tag) =	ssettag $0x1  }
0x1: {  	s1 =	rddreg [dreg:$0x0]  }
0x2: {  	s3 =	rddreg [dreg:$0x1]  }
0x3: {  	s5 =	rddreg [dreg:$0x2]  }
0x4: {  	s0 =	rddreg [dreg:$0x3];
	s6 =	srdreg.scid  }
0x5: {  	s2 =	stileid.u32;
	s4 =	simm.s32 $0x0;
	s11 =	simm.s32 $0x5  }
0x6: {  	s12 =	simm.s32 $0x4000;
	s13 =	simm.s32 $0x50;
	s14 =	simm.s32 $0x8000  }
0x7: {  	s15 =	simm.s32 $0xD000;
	s16 =	simm.s32 $0x1;
	s17 =	simm.s32 $0x3  }
0x8: {  	s18 =	simm.s32 $0xA800;
	s19 =	simm.s32 $0xF800;
	s20 =	simm.s32 $0x2  }
0x9: {  	s21 =	simm.s32 $0x4;
	s6 =	sand.u32 $0x1, s6;
	s7 =	sshll.u32 s2, $0x1  }
0xa: {  	s22 =	simm.s32 $0x0;
	[smem:$0x7FF] =	sst s4;
	s7 =	sor.u32 s6, s7  }
0xb: {  	s6 =	ssub.s32 $0x2, s6;
	s8 =	sshll.u32 s7, $0xB;
	s9 =	smul.u32 $0x138800, s7  }
0xc: {  	_ =	strace $0x80000047;
	s10 =	sshrl.u32 s6, $0x1;
	s8 =	sadd.s32 s8, s5  }
0xd: {  	s5 =	sadd.s32 $0x23000, s5;
	s10 =	ssub.s32 s6, s10;
	s9 =	sshrl.u32 s9, $0x3  }
0xe: {  	s6 =	smul.u32 $0x2710, s7;
	s7 =	sadd.s32 $0x13000, s8;
	s9 =	sadd.s32 s5, s9  }
0xf: {  	s8 =	sadd.s32 $0x3000, s8;
	s10 =	smax.u32 s10, $0x1;
	s9 =	sadd.s32 $0x26C00, s9  }
.LBB2_1:
0x10: {  	[tilespmem:s4], [sflag:$0x5] =	stream.linear.gather [hbm4b:s7+s4], $0x3E80, $0x38;
	[tilespmem:$0x12000] =	vst v63  }
0x11: {  	_ =	swait.ge [sflag:s11], $0x3E80  }
0x12: {  	[sflag:s11] =	ssyncset.done $0x0  }
0x13: {  	[sflag:s11] =	ssyncadd.s32 $0xFFFFC180  }
0x14: {  	[tilespmem:s12], [sflag:$0x5] =	stream.linear.gather [hbm4b:s8+s4], $0x3E80, $0x38;
	[tilespmem:$0x12000] =	vst v63  }
0x15: {  	_ =	swait.ge [sflag:s11], $0x3E80  }
0x16: {  	[sflag:s11] =	ssyncset.done $0x0  }
0x17: {  	[sflag:s11] =	ssyncadd.s32 $0xFFFFC180  }
0x18: {  	[tilespmem:s14], [sflag:$0x1] =	stream.indirect.gather [hbm4b:s1+s13], $0x80, s4, s13, $0xb8;
	[tilespmem:$0x12000] =	vst v63  }
0x19: {  	s23 =	simm.s32 $0x0  }
0x1a: {  	[tilespmem:s15], [sflag:$0x3] =	stream.indirect.gather [hbm4b:s3+s13], $0x80, s12, s13, $0xb8;
	[tilespmem:$0x12000] =	vst v63  }
.LBB2_2:
0x1b: {  	_ =	swait.ge [sflag:s16], $0x2800  }
0x1c: {  	[sflag:s16] =	ssyncset.done $0x0  }
0x1d: {  	[sflag:s16] =	ssyncadd.s32 $0xFFFFD800  }
0x1e: {  	_ =	swait.ge [sflag:s17], $0x2800  }
0x1f: {  	s24 =	sshllo.u32 s23, $0x1;
	[sflag:s17] =	ssyncset.done $0x0  }
0x20: {  	s25 =	sshll.u32 s24, $0x7;
	[sflag:s17] =	ssyncadd.s32 $0xFFFFD800  }
0x21: {  	[tilespmem:s18], [sflag:$0x2] =	stream.indirect.gather [hbm4b:s1+s13], $0x80, s25, s13, $0xb8;
	[tilespmem:$0x12000] =	vst v63  }
0x22: {  	s25 =	sadd.s32 $0x4000, s25  }
0x23: {  	[tilespmem:s19], [sflag:$0x4] =	stream.indirect.gather [hbm4b:s3+s13], $0x80, s25, s13, $0xb8;
	[tilespmem:$0x12000] =	vst v63  }
0x24: {  	s25 =	simm.s32 $0x0  }
0x25: {  	v6 =	vld [tilespmem:s25+$0xD000]  }
0x26: {  	v11 =	vld [tilespmem:s25+$0xD010]  }
0x27: {  	v5 =	vld [tilespmem:s25+$0xD020]  }
0x28: {  	v4 =	vld [tilespmem:s25+$0xD030]  }
0x29: {  	v3 =	vld [tilespmem:s25+$0xD040]  }
0x2a: {  	v2 =	vld [tilespmem:s25+$0xD050]  }
0x2b: {  	v1 =	vld [tilespmem:s25+$0xD060]  }
0x2c: {  	v0 =	vld [tilespmem:s25+$0xD070]  }
0x2d: {  	v12 =	vld [tilespmem:s25+$0x8000]  }
0x2e: {  	v13 =	vld [tilespmem:s25+$0x8010]  }
0x2f: {  	v10 =	vld [tilespmem:s25+$0x8020]  }
0x30: {  	v9 =	vld [tilespmem:s25+$0x8030]  }
0x31: {  	v8 =	vld [tilespmem:s25+$0x8040]  }
0x32: {  	v7 =	vld [tilespmem:s25+$0x8050];
	v12 =	vadd.f32 v6, v12  }
0x33: {  	s26 =	simm.s32 $0x200;
	v11 =	vadd.f32 v11, v13;
	v6 =	vld [tilespmem:s25+$0x8060]  }
.LBB2_3:
0x34: {  	s28 =	sshra.s32 s26, $0x2;
	p0 =	sne.s32 s26, $0x9E00;
	[tilespmem:s25+$0x8000] =	vst v12;
	v5 =	vadd.f32 v5, v10;
	v10 =	vld [tilespmem:s25+$0x8070]  }
0x35: {  	v12 =	vld [tilespmem:s28+$0xD000];
	[tilespmem:s25+$0x8010] =	vst v11;
	v4 =	vadd.f32 v4, v9  }
0x36: {  	v11 =	vld [tilespmem:s28+$0xD010];
	[tilespmem:s25+$0x8020] =	vst v5;
	v3 =	vadd.f32 v3, v8  }
0x37: {  	v5 =	vld [tilespmem:s28+$0xD020];
	[tilespmem:s25+$0x8030] =	vst v4;
	v2 =	vadd.f32 v2, v7  }
0x38: {  	v4 =	vld [tilespmem:s28+$0xD030];
	[tilespmem:s25+$0x8040] =	vst v3;
	v1 =	vadd.f32 v1, v6  }
0x39: {  	v3 =	vld [tilespmem:s28+$0xD040];
	[tilespmem:s25+$0x8050] =	vst v2;
	v0 =	vadd.f32 v0, v10  }
0x3a: {  	v2 =	vld [tilespmem:s28+$0xD050];
	[tilespmem:s25+$0x8060] =	vst v1  }
0x3b: {  	v1 =	vld [tilespmem:s28+$0xD060];
	[tilespmem:s25+$0x8070] =	vst v0;
	s25 =	smov.u32 s28  }
0x3c: {  	v0 =	vld [tilespmem:s25+$0xD070]  }
0x3d: {  	v6 =	vld [tilespmem:s25+$0x8000]  }
0x3e: {  	v13 =	vld [tilespmem:s25+$0x8010]  }
.Ltmp0:
0x3f: {  	v10 =	vld [tilespmem:s25+$0x8020];
	(pc) =	sbr.rel @p0 .LBB2_3-.Ltmp0, $4  }
0x40: {  	v9 =	vld [tilespmem:s25+$0x8030]  }
0x41: {  	v8 =	vld [tilespmem:s25+$0x8040]  }
0x42: {  	v12 =	vadd.f32 v12, v6;
	v7 =	vld [tilespmem:s25+$0x8050]  }
0x43: {  	s26 =	sadd.s32 $0x200, s26;
	v11 =	vadd.f32 v11, v13;
	v6 =	vld [tilespmem:s25+$0x8060]  }
0x44: {  	[tilespmem:s25+$0x8000] =	vst v12;
	v5 =	vadd.f32 v5, v10;
	v10 =	vld [tilespmem:s25+$0x8070]  }
0x45: {  	[tilespmem:s25+$0x8010] =	vst v11;
	v4 =	vadd.f32 v4, v9  }
0x46: {  	[tilespmem:s25+$0x8020] =	vst v5;
	v3 =	vadd.f32 v3, v8  }
0x47: {  	s26 =	smul.u32 $0xA0, s23;
	[tilespmem:s25+$0x8030] =	vst v4;
	v2 =	vadd.f32 v2, v7  }
0x48: {  	[tilespmem:s25+$0x8040] =	vst v3;
	v1 =	vadd.f32 v1, v6  }
0x49: {  	s26 =	sadd.s32 s6, s26;
	[tilespmem:s25+$0x8050] =	vst v2;
	v0 =	vadd.f32 v0, v10  }
0x4a: {  	s26 =	sshll.u32 s26, $0x4;
	[tilespmem:s25+$0x8060] =	vst v1  }
0x4b: {  	s29 =	simm.s32 $0x0;
	s28 =	sadd.s32 s5, s26;
	[tilespmem:s25+$0x8070] =	vst v0  }
0x4c: {  	[hbm4b:s28+s29] =	stream.linear.scatter [tilespmem:s14], [sflag:$0x5], $0x2800, $0x38;
	[tilespmem:$0x12000] =	vst v63  }
0x4d: {  	_ =	swait.ge [sflag:s11], $0x2800  }
0x4e: {  	[sflag:s11] =	ssyncset.done $0x0  }
0x4f: {  	[sflag:s11] =	ssyncadd.s32 $0xFFFFD800  }
0x50: {  	_ =	swait.ge [sflag:s20], $0x2800  }
0x51: {  	[sflag:s20] =	ssyncset.done $0x0  }
0x52: {  	[sflag:s20] =	ssyncadd.s32 $0xFFFFD800  }
0x53: {  	_ =	swait.ge [sflag:s21], $0x2800  }
0x54: {  	s30 =	sshll.u32 s23, $0x8;
	[sflag:s21] =	ssyncset.done $0x0  }
0x55: {  	s31 =	sadd.s32 $0x100, s30;
	[sflag:s21] =	ssyncadd.s32 $0xFFFFD800  }
0x56: {  	[tilespmem:s14], [sflag:$0x1] =	stream.indirect.gather [hbm4b:s1+s13], $0x80, s31, s13, $0xb8;
	[tilespmem:$0x12000] =	vst v63  }
0x57: {  	s25 =	sadd.s32 $0x4100, s30  }
0x58: {  	[tilespmem:s15], [sflag:$0x3] =	stream.indirect.gather [hbm4b:s3+s13], $0x80, s25, s13, $0xb8;
	[tilespmem:$0x12000] =	vst v63  }
0x59: {  	s25 =	simm.s32 $0x0  }
0x5a: {  	v6 =	vld [tilespmem:s25+$0xF800]  }
0x5b: {  	v11 =	vld [tilespmem:s25+$0xF810]  }
0x5c: {  	v5 =	vld [tilespmem:s25+$0xF820]  }
0x5d: {  	v4 =	vld [tilespmem:s25+$0xF830]  }
0x5e: {  	v3 =	vld [tilespmem:s25+$0xF840]  }
0x5f: {  	v2 =	vld [tilespmem:s25+$0xF850]  }
0x60: {  	v1 =	vld [tilespmem:s25+$0xF860]  }
0x61: {  	v0 =	vld [tilespmem:s25+$0xF870]  }
0x62: {  	v12 =	vld [tilespmem:s25+$0xA800]  }
0x63: {  	v13 =	vld [tilespmem:s25+$0xA810]  }
0x64: {  	v10 =	vld [tilespmem:s25+$0xA820]  }
0x65: {  	v9 =	vld [tilespmem:s25+$0xA830]  }
0x66: {  	v8 =	vld [tilespmem:s25+$0xA840]  }
0x67: {  	v7 =	vld [tilespmem:s25+$0xA850];
	v12 =	vadd.f32 v6, v12  }
0x68: {  	s26 =	simm.s32 $0x200;
	v11 =	vadd.f32 v11, v13;
	v6 =	vld [tilespmem:s25+$0xA860]  }
.LBB2_5:
0x69: {  	s28 =	sshra.s32 s26, $0x2;
	p0 =	sne.s32 s26, $0x9E00;
	[tilespmem:s25+$0xA800] =	vst v12;
	v5 =	vadd.f32 v5, v10;
	v10 =	vld [tilespmem:s25+$0xA870]  }
0x6a: {  	v12 =	vld [tilespmem:s28+$0xF800];
	[tilespmem:s25+$0xA810] =	vst v11;
	v4 =	vadd.f32 v4, v9  }
0x6b: {  	v11 =	vld [tilespmem:s28+$0xF810];
	[tilespmem:s25+$0xA820] =	vst v5;
	v3 =	vadd.f32 v3, v8  }
0x6c: {  	v5 =	vld [tilespmem:s28+$0xF820];
	[tilespmem:s25+$0xA830] =	vst v4;
	v2 =	vadd.f32 v2, v7  }
0x6d: {  	v4 =	vld [tilespmem:s28+$0xF830];
	[tilespmem:s25+$0xA840] =	vst v3;
	v1 =	vadd.f32 v1, v6  }
0x6e: {  	v3 =	vld [tilespmem:s28+$0xF840];
	[tilespmem:s25+$0xA850] =	vst v2;
	v0 =	vadd.f32 v0, v10  }
0x6f: {  	v2 =	vld [tilespmem:s28+$0xF850];
	[tilespmem:s25+$0xA860] =	vst v1  }
0x70: {  	v1 =	vld [tilespmem:s28+$0xF860];
	[tilespmem:s25+$0xA870] =	vst v0;
	s25 =	smov.u32 s28  }
0x71: {  	v0 =	vld [tilespmem:s25+$0xF870]  }
0x72: {  	v6 =	vld [tilespmem:s25+$0xA800]  }
0x73: {  	v13 =	vld [tilespmem:s25+$0xA810]  }
.Ltmp1:
0x74: {  	v10 =	vld [tilespmem:s25+$0xA820];
	(pc) =	sbr.rel @p0 .LBB2_5-.Ltmp1, $4  }
0x75: {  	v9 =	vld [tilespmem:s25+$0xA830]  }
0x76: {  	v8 =	vld [tilespmem:s25+$0xA840]  }
0x77: {  	v12 =	vadd.f32 v12, v6;
	v7 =	vld [tilespmem:s25+$0xA850]  }
0x78: {  	s26 =	sadd.s32 $0x200, s26;
	v11 =	vadd.f32 v11, v13;
	v6 =	vld [tilespmem:s25+$0xA860]  }
0x79: {  	[tilespmem:s25+$0xA800] =	vst v12;
	v5 =	vadd.f32 v5, v10;
	v63 =	vld [tilespmem:s25+$0xA870]  }
0x7a: {  	[tilespmem:s25+$0xA810] =	vst v11;
	v4 =	vadd.f32 v4, v9  }
0x7b: {  	[tilespmem:s25+$0xA820] =	vst v5;
	v3 =	vadd.f32 v3, v8  }
0x7c: {  	s24 =	smul.u32 $0x50, s24;
	[tilespmem:s25+$0xA830] =	vst v4;
	v2 =	vadd.f32 v2, v7  }
0x7d: {  	[tilespmem:s25+$0xA840] =	vst v3;
	v1 =	vadd.f32 v1, v6  }
0x7e: {  	s23 =	sadd.s32 $0x1, s23;
	s24 =	sadd.s32 s6, s24;
	[tilespmem:s25+$0xA850] =	vst v2;
	v0 =	vadd.f32 v0, v63  }
0x7f: {  	p0 =	sne.s32 s23, $0x3E;
	s24 =	sshll.u32 s24, $0x4;
	[tilespmem:s25+$0xA860] =	vst v1  }
.Ltmp2:
0x80: {  	s24 =	sadd.s32 s5, s24;
	[tilespmem:s25+$0xA870] =	vst v0;
	(pc) =	sbr.rel @p0 .LBB2_2-.Ltmp2, $4  }
0x81: {  	[hbm4b:s24+s4] =	stream.linear.scatter [tilespmem:s18], [sflag:$0x5], $0x2800, $0x38;
	[tilespmem:$0x12000] =	vst v63  }
0x82: {  	_ =	swait.ge [sflag:s11], $0x2800  }
0x83: {  	[sflag:s11] =	ssyncset.done $0x0  }
0x84: {  	[sflag:s11] =	ssyncadd.s32 $0xFFFFD800  }
0x85: {  	_ =	swait.ge [sflag:s16], $0x2800  }
0x86: {  	[sflag:s16] =	ssyncset.done $0x0  }
0x87: {  	[sflag:s16] =	ssyncadd.s32 $0xFFFFD800  }
0x88: {  	_ =	swait.ge [sflag:s17], $0x2800  }
0x89: {  	[sflag:s17] =	ssyncset.done $0x0  }
0x8a: {  	s23 =	simm.s32 $0x0;
	[sflag:s17] =	ssyncadd.s32 $0xFFFFD800  }
0x8b: {  	v7 =	vld [tilespmem:s23+$0xD000]  }
0x8c: {  	v11 =	vld [tilespmem:s23+$0xD010]  }
0x8d: {  	v5 =	vld [tilespmem:s23+$0xD020]  }
0x8e: {  	v4 =	vld [tilespmem:s23+$0xD030]  }
0x8f: {  	v3 =	vld [tilespmem:s23+$0xD040]  }
0x90: {  	v2 =	vld [tilespmem:s23+$0xD050]  }
0x91: {  	v1 =	vld [tilespmem:s23+$0xD060]  }
0x92: {  	v0 =	vld [tilespmem:s23+$0xD070]  }
0x93: {  	v12 =	vld [tilespmem:s23+$0x8000]  }
0x94: {  	v13 =	vld [tilespmem:s23+$0x8010]  }
0x95: {  	v10 =	vld [tilespmem:s23+$0x8020]  }
0x96: {  	v9 =	vld [tilespmem:s23+$0x8030]  }
0x97: {  	v8 =	vld [tilespmem:s23+$0x8040]  }
0x98: {  	v6 =	vld [tilespmem:s23+$0x8050];
	v12 =	vadd.f32 v7, v12  }
0x99: {  	s24 =	simm.s32 $0x200;
	v11 =	vadd.f32 v11, v13;
	v7 =	vld [tilespmem:s23+$0x8060]  }
.LBB2_8:
0x9a: {  	s25 =	sshra.s32 s24, $0x2;
	p0 =	sne.s32 s24, $0x9E00;
	[tilespmem:s23+$0x8000] =	vst v12;
	v5 =	vadd.f32 v5, v10;
	v10 =	vld [tilespmem:s23+$0x8070]  }
0x9b: {  	v12 =	vld [tilespmem:s25+$0xD000];
	[tilespmem:s23+$0x8010] =	vst v11;
	v4 =	vadd.f32 v4, v9  }
0x9c: {  	v11 =	vld [tilespmem:s25+$0xD010];
	[tilespmem:s23+$0x8020] =	vst v5;
	v3 =	vadd.f32 v3, v8  }
0x9d: {  	v5 =	vld [tilespmem:s25+$0xD020];
	[tilespmem:s23+$0x8030] =	vst v4;
	v2 =	vadd.f32 v2, v6  }
0x9e: {  	v4 =	vld [tilespmem:s25+$0xD030];
	[tilespmem:s23+$0x8040] =	vst v3;
	v1 =	vadd.f32 v1, v7  }
0x9f: {  	v3 =	vld [tilespmem:s25+$0xD040];
	[tilespmem:s23+$0x8050] =	vst v2;
	v0 =	vadd.f32 v0, v10  }
0xa0: {  	v2 =	vld [tilespmem:s25+$0xD050];
	[tilespmem:s23+$0x8060] =	vst v1  }
0xa1: {  	v1 =	vld [tilespmem:s25+$0xD060];
	[tilespmem:s23+$0x8070] =	vst v0;
	s23 =	smov.u32 s25  }
0xa2: {  	v0 =	vld [tilespmem:s23+$0xD070]  }
0xa3: {  	v6 =	vld [tilespmem:s23+$0x8000]  }
0xa4: {  	v7 =	vld [tilespmem:s23+$0x8010]  }
.Ltmp3:
0xa5: {  	v10 =	vld [tilespmem:s23+$0x8020];
	(pc) =	sbr.rel @p0 .LBB2_8-.Ltmp3, $4  }
0xa6: {  	v9 =	vld [tilespmem:s23+$0x8030]  }
0xa7: {  	v8 =	vld [tilespmem:s23+$0x8040]  }
0xa8: {  	v12 =	vadd.f32 v12, v6;
	v6 =	vld [tilespmem:s23+$0x8050]  }
0xa9: {  	s24 =	sadd.s32 $0x200, s24;
	v11 =	vadd.f32 v11, v7;
	v7 =	vld [tilespmem:s23+$0x8060]  }
0xaa: {  	[tilespmem:s23+$0x8000] =	vst v12;
	v5 =	vadd.f32 v5, v10;
	v63 =	vld [tilespmem:s23+$0x8070]  }
0xab: {  	[tilespmem:s23+$0x8010] =	vst v11;
	v4 =	vadd.f32 v4, v9  }
0xac: {  	[tilespmem:s23+$0x8020] =	vst v5;
	v3 =	vadd.f32 v3, v8  }
0xad: {  	[tilespmem:s23+$0x8030] =	vst v4;
	v2 =	vadd.f32 v2, v6  }
0xae: {  	[tilespmem:s23+$0x8040] =	vst v3;
	v1 =	vadd.f32 v1, v7  }
0xaf: {  	s22 =	sadd.s32 $0x1, s22;
	[tilespmem:s23+$0x8050] =	vst v2;
	v0 =	vadd.f32 v0, v63  }
0xb0: {  	p0 =	sne.s32 s22, s10;
	[tilespmem:s23+$0x8060] =	vst v1  }
.Ltmp4:
0xb1: {  	[tilespmem:s23+$0x8070] =	vst v0;
	(pc) =	sbr.rel @p0 .LBB2_1-.Ltmp4, $4  }
0xb2: {  	[hbm4b:s9+s4] =	stream.linear.scatter [tilespmem:s14], [sflag:$0x5], $0x2800, $0x38;
	[tilespmem:$0x12000] =	vst v63  }
0xb3: {  	_ =	swait.ge [sflag:s11], $0x2800  }
0xb4: {  	[sflag:s11] =	ssyncset.done $0x0  }
0xb5: {  	[sflag:s11] =	ssyncadd.s32 $0xFFFFD800  }
0xb6: {  	_ =	sfence.sel $0x180000  }
0xb7: {  	[bflag:$0x0] =	sbarrier.arrive $0xFFFF  }
0xb8: {  	p0 =	sne.s32 s2, $0x0;
	_ =	strace $0x90000047  }
0xb9: {  	s0 =	sadd.s32 @!p0 $0x100000, s0;
	[bflag:$0x2] =	sbarrier.arrive $0xFFFF  }
0xba: {  	[sflag:s0] =	ssyncadd.tile.s32 @!p0 $0x1;
	_ =	shalt  }
.Lfunc_end2:
_tile_overlayer_lowered:
.L_overlay_start_2:
0xbb: {  	(tag) =	ssettag $0x2  }
0xbc: {  	s0 =	rddreg [dreg:$0x0];
	s2 =	stileid.u32  }
0xbd: {  	s1 =	rddreg [dreg:$0x1];
	p0 =	sne.s32 s2, $0x0  }
0xbe: {  	s3 =	rddreg [dreg:$0x2];
	[bflag:$0x3] =	sbarrier.arrive $0xFFFF;
	s2 =	simm.s32 @!p0 $0x1C05  }
0xbf: {  	[timem:s3], [sflag:s2] =	dma.local @!p0 [hbm:s0], s1  }
0xc0: {  	s0 =	simm.s32 @!p0 $0x5  }
0xc1: {  	_ =	swait.ge @!p0 [sflag:s0], s1  }
0xc2: {  	s1 =	ssub.s32 @!p0 $0x0, s1;
	[sflag:s0] =	ssyncset.done @!p0 $0x0  }
0xc3: {  	[sflag:s0] =	ssyncadd.s32 @!p0 s1  }
0xc4: {  	[bflag:$0x3] =	sbarrier.arrive $0xFFFF  }
0xc5: {  	_ =	shalt  }

</sc_bundles>
